<compile_context>
chip_gen: v7x
topology: tpu7x:2x2x1
jax: 0.10.2.dev20260603
libtpu: 0.0.44.dev20260713+nightly
codegen_flags: <defaults>
</compile_context>

<pallas_src>
import functools

import jax
import jax.numpy as jnp
from jax import lax
from jax.experimental import pallas as pl
from jax.experimental.pallas import tpu as pltpu
from jax.experimental.pallas import tpu_sc as plsc

_CHUNK = 256
_FIRE = 16


@functools.cache
def _make_gather_kernel(V, D, B):
    info = plsc.get_sparse_core_info()
    NC, NS = info.num_cores, info.num_subcores
    NW = NC * NS
    assert B % NW == 0
    b_per_w = B // NW
    n_chunks = b_per_w // _CHUNK
    assert b_per_w % _CHUNK == 0 and _CHUNK % _FIRE == 0
    mesh = plsc.VectorSubcoreMesh(core_axis_name="c", subcore_axis_name="s")

    out_sds = jax.ShapeDtypeStruct((B, D), jnp.float32)

    @functools.partial(
        pl.kernel,
        mesh=mesh,
        out_type=(out_sds, out_sds),
        scratch_types=[
            pltpu.VMEM((b_per_w,), jnp.int32),
            pltpu.VMEM((b_per_w,), jnp.int32),
            pltpu.VMEM((_CHUNK, D), jnp.float32),
            pltpu.VMEM((_CHUNK, D), jnp.float32),
            pltpu.SemaphoreType.DMA,
            pltpu.SemaphoreType.DMA,
        ],
        compiler_params=pltpu.CompilerParams(use_tc_tiling_on_sc=True),
    )
    def k(tab_l, tab_r, idx_l, idx_r, out_l, out_r,
          vidx_l, vidx_r, rows_a, rows_b, sem_a, sem_b):
        wid = lax.axis_index("s") * NC + lax.axis_index("c")
        base = wid * b_per_w
        pltpu.sync_copy(idx_l.at[pl.ds(base, b_per_w)], vidx_l)
        pltpu.sync_copy(idx_r.at[pl.ds(base, b_per_w)], vidx_r)

        def fire_chunk(tab, vidx, rows_v, sem, c0):
            def body(i, carry):
                r0 = i * _FIRE
                v = vidx[pl.ds(c0 + r0, _FIRE)]
                for j in range(_FIRE):
                    pltpu.make_async_copy(
                        tab.at[pl.ds(v[j], 1)],
                        rows_v.at[pl.ds(r0 + j, 1)],
                        sem,
                    ).start()
                return carry
            lax.fori_loop(0, _CHUNK // _FIRE, body, 0)

        for tab, vidx, out in ((tab_l, vidx_l, out_l), (tab_r, vidx_r, out_r)):
            for c in range(n_chunks):
                rows_v, sem = (rows_a, sem_a) if c % 2 == 0 else (rows_b, sem_b)
                fire_chunk(tab, vidx, rows_v, sem, c * _CHUNK)
                pltpu.make_async_copy(
                    tab.at[pl.ds(0, _CHUNK)], rows_v, sem
                ).wait()
                pltpu.sync_copy(
                    rows_v, out.at[pl.ds(base + c * _CHUNK, _CHUNK)]
                )

    return k


def kernel(table_left, table_right, indices_left, indices_right):
    V, D = table_left.shape
    (B,) = indices_left.shape
    k = _make_gather_kernel(V, D, B)
    return k(
        table_left,
        table_right,
        indices_left.astype(jnp.int32),
        indices_right.astype(jnp.int32),
    )

# --- scband reference (transcript-rebuilt; emitter-appended) ---
"""Pipeline reference for scband-node-embeddings-68925635166979 (READ-ONLY COPY).

The authoritative reference and input builder live on the scoring server;
editing this copy changes nothing except your own understanding.
"""

import jax, jax.numpy as jnp
import numpy as np

NUM_NODES = 1000000
EMBED_DIM = 32
BATCH = 16384


def setup_inputs(seed: int = 0) -> dict:
    key = jax.random.key(seed)
    k1, k2, k3, k4 = jax.random.split(key, 4)
    # Two per-side embedding tables (MatchSideEnum.LEFT / RIGHT), xavier-uniform-like init
    bound = float(np.sqrt(6.0 / (NUM_NODES + EMBED_DIM)))
    table_left = jax.random.uniform(k1, (NUM_NODES, EMBED_DIM), dtype=jnp.float32, minval=-bound, maxval=bound)
    table_right = jax.random.uniform(k2, (NUM_NODES, EMBED_DIM), dtype=jnp.float32, minval=-bound, maxval=bound)
    indices_left = jax.random.randint(k3, (BATCH,), 0, NUM_NODES, dtype=jnp.int64 if jax.config.read('jax_enable_x64') else jnp.int32)
    indices_right = jax.random.randint(k4, (BATCH,), 0, NUM_NODES, dtype=jnp.int64 if jax.config.read('jax_enable_x64') else jnp.int32)
    return {
        'table_left': table_left,
        'table_right': table_right,
        'indices_left': indices_left,
        'indices_right': indices_right,
    }


def reference(table_left, table_right, indices_left, indices_right):
    # NodeEmbeddings.forward with indices mapping {LEFT: indices_left, RIGHT: indices_right}
    # shared=False, dropout=None, normalizer=None -> plain per-side embedding gather
    emb_left = jnp.take(table_left, indices_left, axis=0)
    emb_right = jnp.take(table_right, indices_right, axis=0)
    return (emb_left, emb_right)

if __name__ == "__main__":
    import jax
    _d = setup_inputs()
    print(jax.jit(kernel)(*tuple(_d.values())))

</pallas_src>

<mosaic_0001>
#map = affine_map<(d0, d1) -> (0, 0)>
#map1 = affine_map<(d0, d1) -> (0)>
module attributes {stable_mosaic.version = 14 : i64} {
  func.func @k(%arg0: i32, %arg1: i32, %arg2: memref<1000000x32xf32, #tpu.memory_space<hbm>>, %arg3: memref<1000000x32xf32, #tpu.memory_space<hbm>>, %arg4: memref<16384xi32, #tpu.memory_space<hbm>>, %arg5: memref<16384xi32, #tpu.memory_space<hbm>>, %arg6: memref<16384x32xf32, #tpu.memory_space<hbm>>, %arg7: memref<16384x32xf32, #tpu.memory_space<hbm>>, %arg8: memref<512xi32, #tpu.memory_space<vmem>>, %arg9: memref<512xi32, #tpu.memory_space<vmem>>, %arg10: memref<256x32xf32, #tpu.memory_space<vmem>>, %arg11: memref<256x32xf32, #tpu.memory_space<vmem>>, %arg12: memref<!tpu.dma_semaphore, #tpu.memory_space<semaphore_mem>>, %arg13: memref<!tpu.dma_semaphore, #tpu.memory_space<semaphore_mem>>) attributes {dimension_semantics = [#tpu.dimension_semantics<core_parallel>, #tpu.dimension_semantics<subcore_parallel>], iteration_bounds = array<i64: 2, 16>, scalar_prefetch = 0 : i64, scratch_operands = 6 : i64, tpu.core_type = #tpu.core_type<sc_vector_subcore>, window_params = [{transform_indices = #map}, {transform_indices = #map}, {transform_indices = #map1}, {transform_indices = #map1}, {transform_indices = #map}, {transform_indices = #map}]} {
    %mul3A = arith.constant 2 : i32
    %mul3A_0 = arith.muli %arg1, %mul3A : i32
    %add3A = arith.addi %mul3A_0, %arg0 : i32
    %mul3A_1 = arith.constant 512 : i32
    %mul3A_2 = arith.muli %add3A, %mul3A_1 : i32
    "tpu.region"() ({
      %run_scoped3A = tpu.sem_alloc : memref<!tpu.dma_semaphore, #tpu.memory_space<semaphore_mem>>
      %dma_start3A = tpu.memref_slice %arg4[%mul3A_2] : memref<16384xi32, #tpu.memory_space<hbm>> -> memref<512xi32, #tpu.memory_space<hbm>>
      %dma_start3A_57 = tpu.memref_slice %arg4[%mul3A_2] : memref<16384xi32, #tpu.memory_space<hbm>> -> memref<512xi32, #tpu.memory_space<hbm>>
      tpu.enqueue_dma source(%dma_start3A_57 : memref<512xi32, #tpu.memory_space<hbm>>) target(%arg8 : memref<512xi32, #tpu.memory_space<vmem>>) target_semaphore(%run_scoped3A : memref<!tpu.dma_semaphore, #tpu.memory_space<semaphore_mem>>)
      %dma_wait3A_58 = tpu.memref_slice %arg4[%mul3A_2] : memref<16384xi32, #tpu.memory_space<hbm>> -> memref<512xi32, #tpu.memory_space<hbm>>
      %dma_wait3A_59 = tpu.memref_slice %arg4[%mul3A_2] : memref<16384xi32, #tpu.memory_space<hbm>> -> memref<512xi32, #tpu.memory_space<hbm>>
      tpu.wait_dma2 semaphore(%run_scoped3A : memref<!tpu.dma_semaphore, #tpu.memory_space<semaphore_mem>>) src(%dma_wait3A_59 : memref<512xi32, #tpu.memory_space<hbm>>) dst(%arg8 : memref<512xi32, #tpu.memory_space<vmem>>)
      tpu.yield
    }) : () -> ()
    "tpu.region"() ({
      %run_scoped3A = tpu.sem_alloc : memref<!tpu.dma_semaphore, #tpu.memory_space<semaphore_mem>>
      %dma_start3A = tpu.memref_slice %arg5[%mul3A_2] : memref<16384xi32, #tpu.memory_space<hbm>> -> memref<512xi32, #tpu.memory_space<hbm>>
      %dma_start3A_57 = tpu.memref_slice %arg5[%mul3A_2] : memref<16384xi32, #tpu.memory_space<hbm>> -> memref<512xi32, #tpu.memory_space<hbm>>
      tpu.enqueue_dma source(%dma_start3A_57 : memref<512xi32, #tpu.memory_space<hbm>>) target(%arg9 : memref<512xi32, #tpu.memory_space<vmem>>) target_semaphore(%run_scoped3A : memref<!tpu.dma_semaphore, #tpu.memory_space<semaphore_mem>>)
      %dma_wait3A_58 = tpu.memref_slice %arg5[%mul3A_2] : memref<16384xi32, #tpu.memory_space<hbm>> -> memref<512xi32, #tpu.memory_space<hbm>>
      %dma_wait3A_59 = tpu.memref_slice %arg5[%mul3A_2] : memref<16384xi32, #tpu.memory_space<hbm>> -> memref<512xi32, #tpu.memory_space<hbm>>
      tpu.wait_dma2 semaphore(%run_scoped3A : memref<!tpu.dma_semaphore, #tpu.memory_space<semaphore_mem>>) src(%dma_wait3A_59 : memref<512xi32, #tpu.memory_space<hbm>>) dst(%arg9 : memref<512xi32, #tpu.memory_space<vmem>>)
      tpu.yield
    }) : () -> ()
    %scan3A = arith.constant 0 : i32
    %scan3A_3 = arith.constant 0 : i32
    %scan3A_4 = arith.constant 16 : i32
    %scan3A_5 = arith.addi %scan3A_3, %scan3A_4 : i32
    %scan3A_6 = arith.constant 1 : i32
    scf.for %scan3A_57 = %scan3A_3 to %scan3A_5 step %scan3A_6  : i32 {
      %mul3A_58 = arith.constant 16 : i32
      %mul3A_59 = arith.muli %scan3A_57, %mul3A_58 : i32
      %add3A_60 = arith.constant 0 : i32
      %add3A_61 = arith.addi %add3A_60, %mul3A_59 : i32
      %get3A = arith.index_cast %add3A_61 : i32 to index
      %get3A_62 = tpu.vector_load %arg8[%get3A] {strides = array<i32>} : memref<512xi32, #tpu.memory_space<vmem>>, vector<16xi32>,
      %get3A_63 = vector.shape_cast %get3A_62 : vector<16xi32> to vector<16xi32>
      %slice3A = vector.extract_strided_slice %get3A_63 {offsets = [0], sizes = [1], strides = [1]} : vector<16xi32> to vector<1xi32>
      %squeeze3A = vector.extract %slice3A[0] : i32 from vector<1xi32>
      %add3A_64 = arith.constant 0 : i32
      %add3A_65 = arith.addi %mul3A_59, %add3A_64 : i32
      %dma_start3A = arith.constant 0 : i32
      %dma_start3A_66 = tpu.memref_slice %arg10[%add3A_65, %dma_start3A] : memref<256x32xf32, #tpu.memory_space<vmem>> -> memref<1x32xf32, #tpu.memory_space<vmem>>
      %dma_start3A_67 = arith.constant 0 : i32
      %dma_start3A_68 = tpu.memref_slice %arg2[%squeeze3A, %dma_start3A_67] : memref<1000000x32xf32, #tpu.memory_space<hbm>> -> memref<1x32xf32, #tpu.memory_space<hbm>>
      %dma_start3A_69 = arith.constant 0 : i32
      %dma_start3A_70 = tpu.memref_slice %arg10[%add3A_65, %dma_start3A_69] : memref<256x32xf32, #tpu.memory_space<vmem>> -> memref<1x32xf32, #tpu.memory_space<vmem>>
      %dma_start3A_71 = arith.constant 0 : i32
      %dma_start3A_72 = tpu.memref_slice %arg2[%squeeze3A, %dma_start3A_71] : memref<1000000x32xf32, #tpu.memory_space<hbm>> -> memref<1x32xf32, #tpu.memory_space<hbm>>
      tpu.enqueue_dma source(%dma_start3A_72 : memref<1x32xf32, #tpu.memory_space<hbm>>) target(%dma_start3A_70 : memref<1x32xf32, #tpu.memory_space<vmem>>) target_semaphore(%arg12 : memref<!tpu.dma_semaphore, #tpu.memory_space<semaphore_mem>>)
      %slice3A_73 = vector.extract_strided_slice %get3A_63 {offsets = [1], sizes = [1], strides = [1]} : vector<16xi32> to vector<1xi32>
      %squeeze3A_74 = vector.extract %slice3A_73[0] : i32 from vector<1xi32>
      %add3A_75 = arith.constant 1 : i32
      %add3A_76 = arith.addi %mul3A_59, %add3A_75 : i32
      %dma_start3A_77 = arith.constant 0 : i32
      %dma_start3A_78 = tpu.memref_slice %arg10[%add3A_76, %dma_start3A_77] : memref<256x32xf32, #tpu.memory_space<vmem>> -> memref<1x32xf32, #tpu.memory_space<vmem>>
      %dma_start3A_79 = arith.constant 0 : i32
      %dma_start3A_80 = tpu.memref_slice %arg2[%squeeze3A_74, %dma_start3A_79] : memref<1000000x32xf32, #tpu.memory_space<hbm>> -> memref<1x32xf32, #tpu.memory_space<hbm>>
      %dma_start3A_81 = arith.constant 0 : i32
      %dma_start3A_82 = tpu.memref_slice %arg10[%add3A_76, %dma_start3A_81] : memref<256x32xf32, #tpu.memory_space<vmem>> -> memref<1x32xf32, #tpu.memory_space<vmem>>
      %dma_start3A_83 = arith.constant 0 : i32
      %dma_start3A_84 = tpu.memref_slice %arg2[%squeeze3A_74, %dma_start3A_83] : memref<1000000x32xf32, #tpu.memory_space<hbm>> -> memref<1x32xf32, #tpu.memory_space<hbm>>
      tpu.enqueue_dma source(%dma_start3A_84 : memref<1x32xf32, #tpu.memory_space<hbm>>) target(%dma_start3A_82 : memref<1x32xf32, #tpu.memory_space<vmem>>) target_semaphore(%arg12 : memref<!tpu.dma_semaphore, #tpu.memory_space<semaphore_mem>>)
      %slice3A_85 = vector.extract_strided_slice %get3A_63 {offsets = [2], sizes = [1], strides = [1]} : vector<16xi32> to vector<1xi32>
      %squeeze3A_86 = vector.extract %slice3A_85[0] : i32 from vector<1xi32>
      %add3A_87 = arith.constant 2 : i32
      %add3A_88 = arith.addi %mul3A_59, %add3A_87 : i32
      %dma_start3A_89 = arith.constant 0 : i32
      %dma_start3A_90 = tpu.memref_slice %arg10[%add3A_88, %dma_start3A_89] : memref<256x32xf32, #tpu.memory_space<vmem>> -> memref<1x32xf32, #tpu.memory_space<vmem>>
      %dma_start3A_91 = arith.constant 0 : i32
      %dma_start3A_92 = tpu.memref_slice %arg2[%squeeze3A_86, %dma_start3A_91] : memref<1000000x32xf32, #tpu.memory_space<hbm>> -> memref<1x32xf32, #tpu.memory_space<hbm>>
      %dma_start3A_93 = arith.constant 0 : i32
      %dma_start3A_94 = tpu.memref_slice %arg10[%add3A_88, %dma_start3A_93] : memref<256x32xf32, #tpu.memory_space<vmem>> -> memref<1x32xf32, #tpu.memory_space<vmem>>
      %dma_start3A_95 = arith.constant 0 : i32
      %dma_start3A_96 = tpu.memref_slice %arg2[%squeeze3A_86, %dma_start3A_95] : memref<1000000x32xf32, #tpu.memory_space<hbm>> -> memref<1x32xf32, #tpu.memory_space<hbm>>
      tpu.enqueue_dma source(%dma_start3A_96 : memref<1x32xf32, #tpu.memory_space<hbm>>) target(%dma_start3A_94 : memref<1x32xf32, #tpu.memory_space<vmem>>) target_semaphore(%arg12 : memref<!tpu.dma_semaphore, #tpu.memory_space<semaphore_mem>>)
      %slice3A_97 = vector.extract_strided_slice %get3A_63 {offsets = [3], sizes = [1], strides = [1]} : vector<16xi32> to vector<1xi32>
      %squeeze3A_98 = vector.extract %slice3A_97[0] : i32 from vector<1xi32>
      %add3A_99 = arith.constant 3 : i32
      %add3A_100 = arith.addi %mul3A_59, %add3A_99 : i32
      %dma_start3A_101 = arith.constant 0 : i32
      %dma_start3A_102 = tpu.memref_slice %arg10[%add3A_100, %dma_start3A_101] : memref<256x32xf32, #tpu.memory_space<vmem>> -> memref<1x32xf32, #tpu.memory_space<vmem>>
      %dma_start3A_103 = arith.constant 0 : i32
      %dma_start3A_104 = tpu.memref_slice %arg2[%squeeze3A_98, %dma_start3A_103] : memref<1000000x32xf32, #tpu.memory_space<hbm>> -> memref<1x32xf32, #tpu.memory_space<hbm>>
      %dma_start3A_105 = arith.constant 0 : i32
      %dma_start3A_106 = tpu.memref_slice %arg10[%add3A_100, %dma_start3A_105] : memref<256x32xf32, #tpu.memory_space<vmem>> -> memref<1x32xf32, #tpu.memory_space<vmem>>
      %dma_start3A_107 = arith.constant 0 : i32
      %dma_start3A_108 = tpu.memref_slice %arg2[%squeeze3A_98, %dma_start3A_107] : memref<1000000x32xf32, #tpu.memory_space<hbm>> -> memref<1x32xf32, #tpu.memory_space<hbm>>
      tpu.enqueue_dma source(%dma_start3A_108 : memref<1x32xf32, #tpu.memory_space<hbm>>) target(%dma_start3A_106 : memref<1x32xf32, #tpu.memory_space<vmem>>) target_semaphore(%arg12 : memref<!tpu.dma_semaphore, #tpu.memory_space<semaphore_mem>>)
      %slice3A_109 = vector.extract_strided_slice %get3A_63 {offsets = [4], sizes = [1], strides = [1]} : vector<16xi32> to vector<1xi32>
      %squeeze3A_110 = vector.extract %slice3A_109[0] : i32 from vector<1xi32>
      %add3A_111 = arith.constant 4 : i32
      %add3A_112 = arith.addi %mul3A_59, %add3A_111 : i32
      %dma_start3A_113 = arith.constant 0 : i32
      %dma_start3A_114 = tpu.memref_slice %arg10[%add3A_112, %dma_start3A_113] : memref<256x32xf32, #tpu.memory_space<vmem>> -> memref<1x32xf32, #tpu.memory_space<vmem>>
      %dma_start3A_115 = arith.constant 0 : i32
      %dma_start3A_116 = tpu.memref_slice %arg2[%squeeze3A_110, %dma_start3A_115] : memref<1000000x32xf32, #tpu.memory_space<hbm>> -> memref<1x32xf32, #tpu.memory_space<hbm>>
      %dma_start3A_117 = arith.constant 0 : i32
      %dma_start3A_118 = tpu.memref_slice %arg10[%add3A_112, %dma_start3A_117] : memref<256x32xf32, #tpu.memory_space<vmem>> -> memref<1x32xf32, #tpu.memory_space<vmem>>
      %dma_start3A_119 = arith.constant 0 : i32
      %dma_start3A_120 = tpu.memref_slice %arg2[%squeeze3A_110, %dma_start3A_119] : memref<1000000x32xf32, #tpu.memory_space<hbm>> -> memref<1x32xf32, #tpu.memory_space<hbm>>
      tpu.enqueue_dma source(%dma_start3A_120 : memref<1x32xf32, #tpu.memory_space<hbm>>) target(%dma_start3A_118 : memref<1x32xf32, #tpu.memory_space<vmem>>) target_semaphore(%arg12 : memref<!tpu.dma_semaphore, #tpu.memory_space<semaphore_mem>>)
      %slice3A_121 = vector.extract_strided_slice %get3A_63 {offsets = [5], sizes = [1], strides = [1]} : vector<16xi32> to vector<1xi32>
      %squeeze3A_122 = vector.extract %slice3A_121[0] : i32 from vector<1xi32>
      %add3A_123 = arith.constant 5 : i32
      %add3A_124 = arith.addi %mul3A_59, %add3A_123 : i32
      %dma_start3A_125 = arith.constant 0 : i32
      %dma_start3A_126 = tpu.memref_slice %arg10[%add3A_124, %dma_start3A_125] : memref<256x32xf32, #tpu.memory_space<vmem>> -> memref<1x32xf32, #tpu.memory_space<vmem>>
      %dma_start3A_127 = arith.constant 0 : i32
      %dma_start3A_128 = tpu.memref_slice %arg2[%squeeze3A_122, %dma_start3A_127] : memref<1000000x32xf32, #tpu.memory_space<hbm>> -> memref<1x32xf32, #tpu.memory_space<hbm>>
      %dma_start3A_129 = arith.constant 0 : i32
      %dma_start3A_130 = tpu.memref_slice %arg10[%add3A_124, %dma_start3A_129] : memref<256x32xf32, #tpu.memory_space<vmem>> -> memref<1x32xf32, #tpu.memory_space<vmem>>
      %dma_start3A_131 = arith.constant 0 : i32
      %dma_start3A_132 = tpu.memref_slice %arg2[%squeeze3A_122, %dma_start3A_131] : memref<1000000x32xf32, #tpu.memory_space<hbm>> -> memref<1x32xf32, #tpu.memory_space<hbm>>
      tpu.enqueue_dma source(%dma_start3A_132 : memref<1x32xf32, #tpu.memory_space<hbm>>) target(%dma_start3A_130 : memref<1x32xf32, #tpu.memory_space<vmem>>) target_semaphore(%arg12 : memref<!tpu.dma_semaphore, #tpu.memory_space<semaphore_mem>>)
      %slice3A_133 = vector.extract_strided_slice %get3A_63 {offsets = [6], sizes = [1], strides = [1]} : vector<16xi32> to vector<1xi32>
      %squeeze3A_134 = vector.extract %slice3A_133[0] : i32 from vector<1xi32>
      %add3A_135 = arith.constant 6 : i32
      %add3A_136 = arith.addi %mul3A_59, %add3A_135 : i32
      %dma_start3A_137 = arith.constant 0 : i32
      %dma_start3A_138 = tpu.memref_slice %arg10[%add3A_136, %dma_start3A_137] : memref<256x32xf32, #tpu.memory_space<vmem>> -> memref<1x32xf32, #tpu.memory_space<vmem>>
      %dma_start3A_139 = arith.constant 0 : i32
      %dma_start3A_140 = tpu.memref_slice %arg2[%squeeze3A_134, %dma_start3A_139] : memref<1000000x32xf32, #tpu.memory_space<hbm>> -> memref<1x32xf32, #tpu.memory_space<hbm>>
      %dma_start3A_141 = arith.constant 0 : i32
      %dma_start3A_142 = tpu.memref_slice %arg10[%add3A_136, %dma_start3A_141] : memref<256x32xf32, #tpu.memory_space<vmem>> -> memref<1x32xf32, #tpu.memory_space<vmem>>
      %dma_start3A_143 = arith.constant 0 : i32
      %dma_start3A_144 = tpu.memref_slice %arg2[%squeeze3A_134, %dma_start3A_143] : memref<1000000x32xf32, #tpu.memory_space<hbm>> -> memref<1x32xf32, #tpu.memory_space<hbm>>
      tpu.enqueue_dma source(%dma_start3A_144 : memref<1x32xf32, #tpu.memory_space<hbm>>) target(%dma_start3A_142 : memref<1x32xf32, #tpu.memory_space<vmem>>) target_semaphore(%arg12 : memref<!tpu.dma_semaphore, #tpu.memory_space<semaphore_mem>>)
      %slice3A_145 = vector.extract_strided_slice %get3A_63 {offsets = [7], sizes = [1], strides = [1]} : vector<16xi32> to vector<1xi32>
      %squeeze3A_146 = vector.extract %slice3A_145[0] : i32 from vector<1xi32>
      %add3A_147 = arith.constant 7 : i32
      %add3A_148 = arith.addi %mul3A_59, %add3A_147 : i32
      %dma_start3A_149 = arith.constant 0 : i32
      %dma_start3A_150 = tpu.memref_slice %arg10[%add3A_148, %dma_start3A_149] : memref<256x32xf32, #tpu.memory_space<vmem>> -> memref<1x32xf32, #tpu.memory_space<vmem>>
      %dma_start3A_151 = arith.constant 0 : i32
      %dma_start3A_152 = tpu.memref_slice %arg2[%squeeze3A_146, %dma_start3A_151] : memref<1000000x32xf32, #tpu.memory_space<hbm>> -> memref<1x32xf32, #tpu.memory_space<hbm>>
      %dma_start3A_153 = arith.constant 0 : i32
      %dma_start3A_154 = tpu.memref_slice %arg10[%add3A_148, %dma_start3A_153] : memref<256x32xf32, #tpu.memory_space<vmem>> -> memref<1x32xf32, #tpu.memory_space<vmem>>
      %dma_start3A_155 = arith.constant 0 : i32
      %dma_start3A_156 = tpu.memref_slice %arg2[%squeeze3A_146, %dma_start3A_155] : memref<1000000x32xf32, #tpu.memory_space<hbm>> -> memref<1x32xf32, #tpu.memory_space<hbm>>
      tpu.enqueue_dma source(%dma_start3A_156 : memref<1x32xf32, #tpu.memory_space<hbm>>) target(%dma_start3A_154 : memref<1x32xf32, #tpu.memory_space<vmem>>) target_semaphore(%arg12 : memref<!tpu.dma_semaphore, #tpu.memory_space<semaphore_mem>>)
      %slice3A_157 = vector.extract_strided_slice %get3A_63 {offsets = [8], sizes = [1], strides = [1]} : vector<16xi32> to vector<1xi32>
      %squeeze3A_158 = vector.extract %slice3A_157[0] : i32 from vector<1xi32>
      %add3A_159 = arith.constant 8 : i32
      %add3A_160 = arith.addi %mul3A_59, %add3A_159 : i32
      %dma_start3A_161 = arith.constant 0 : i32
      %dma_start3A_162 = tpu.memref_slice %arg10[%add3A_160, %dma_start3A_161] : memref<256x32xf32, #tpu.memory_space<vmem>> -> memref<1x32xf32, #tpu.memory_space<vmem>>
      %dma_start3A_163 = arith.constant 0 : i32
      %dma_start3A_164 = tpu.memref_slice %arg2[%squeeze3A_158, %dma_start3A_163] : memref<1000000x32xf32, #tpu.memory_space<hbm>> -> memref<1x32xf32, #tpu.memory_space<hbm>>
      %dma_start3A_165 = arith.constant 0 : i32
      %dma_start3A_166 = tpu.memref_slice %arg10[%add3A_160, %dma_start3A_165] : memref<256x32xf32, #tpu.memory_space<vmem>> -> memref<1x32xf32, #tpu.memory_space<vmem>>
      %dma_start3A_167 = arith.constant 0 : i32
      %dma_start3A_168 = tpu.memref_slice %arg2[%squeeze3A_158, %dma_start3A_167] : memref<1000000x32xf32, #tpu.memory_space<hbm>> -> memref<1x32xf32, #tpu.memory_space<hbm>>
      tpu.enqueue_dma source(%dma_start3A_168 : memref<1x32xf32, #tpu.memory_space<hbm>>) target(%dma_start3A_166 : memref<1x32xf32, #tpu.memory_space<vmem>>) target_semaphore(%arg12 : memref<!tpu.dma_semaphore, #tpu.memory_space<semaphore_mem>>)
      %slice3A_169 = vector.extract_strided_slice %get3A_63 {offsets = [9], sizes = [1], strides = [1]} : vector<16xi32> to vector<1xi32>
      %squeeze3A_170 = vector.extract %slice3A_169[0] : i32 from vector<1xi32>
      %add3A_171 = arith.constant 9 : i32
      %add3A_172 = arith.addi %mul3A_59, %add3A_171 : i32
      %dma_start3A_173 = arith.constant 0 : i32
      %dma_start3A_174 = tpu.memref_slice %arg10[%add3A_172, %dma_start3A_173] : memref<256x32xf32, #tpu.memory_space<vmem>> -> memref<1x32xf32, #tpu.memory_space<vmem>>
      %dma_start3A_175 = arith.constant 0 : i32
      %dma_start3A_176 = tpu.memref_slice %arg2[%squeeze3A_170, %dma_start3A_175] : memref<1000000x32xf32, #tpu.memory_space<hbm>> -> memref<1x32xf32, #tpu.memory_space<hbm>>
      %dma_start3A_177 = arith.constant 0 : i32
      %dma_start3A_178 = tpu.memref_slice %arg10[%add3A_172, %dma_start3A_177] : memref<256x32xf32, #tpu.memory_space<vmem>> -> memref<1x32xf32, #tpu.memory_space<vmem>>
      %dma_start3A_179 = arith.constant 0 : i32
      %dma_start3A_180 = tpu.memref_slice %arg2[%squeeze3A_170, %dma_start3A_179] : memref<1000000x32xf32, #tpu.memory_space<hbm>> -> memref<1x32xf32, #tpu.memory_space<hbm>>
      tpu.enqueue_dma source(%dma_start3A_180 : memref<1x32xf32, #tpu.memory_space<hbm>>) target(%dma_start3A_178 : memref<1x32xf32, #tpu.memory_space<vmem>>) target_semaphore(%arg12 : memref<!tpu.dma_semaphore, #tpu.memory_space<semaphore_mem>>)
      %slice3A_181 = vector.extract_strided_slice %get3A_63 {offsets = [10], sizes = [1], strides = [1]} : vector<16xi32> to vector<1xi32>
      %squeeze3A_182 = vector.extract %slice3A_181[0] : i32 from vector<1xi32>
      %add3A_183 = arith.constant 10 : i32
      %add3A_184 = arith.addi %mul3A_59, %add3A_183 : i32
      %dma_start3A_185 = arith.constant 0 : i32
      %dma_start3A_186 = tpu.memref_slice %arg10[%add3A_184, %dma_start3A_185] : memref<256x32xf32, #tpu.memory_space<vmem>> -> memref<1x32xf32, #tpu.memory_space<vmem>>
      %dma_start3A_187 = arith.constant 0 : i32
      %dma_start3A_188 = tpu.memref_slice %arg2[%squeeze3A_182, %dma_start3A_187] : memref<1000000x32xf32, #tpu.memory_space<hbm>> -> memref<1x32xf32, #tpu.memory_space<hbm>>
      %dma_start3A_189 = arith.constant 0 : i32
      %dma_start3A_190 = tpu.memref_slice %arg10[%add3A_184, %dma_start3A_189] : memref<256x32xf32, #tpu.memory_space<vmem>> -> memref<1x32xf32, #tpu.memory_space<vmem>>
      %dma_start3A_191 = arith.constant 0 : i32
      %dma_start3A_192 = tpu.memref_slice %arg2[%squeeze3A_182, %dma_start3A_191] : memref<1000000x32xf32, #tpu.memory_space<hbm>> -> memref<1x32xf32, #tpu.memory_space<hbm>>
      tpu.enqueue_dma source(%dma_start3A_192 : memref<1x32xf32, #tpu.memory_space<hbm>>) target(%dma_start3A_190 : memref<1x32xf32, #tpu.memory_space<vmem>>) target_semaphore(%arg12 : memref<!tpu.dma_semaphore, #tpu.memory_space<semaphore_mem>>)
      %slice3A_193 = vector.extract_strided_slice %get3A_63 {offsets = [11], sizes = [1], strides = [1]} : vector<16xi32> to vector<1xi32>
      %squeeze3A_194 = vector.extract %slice3A_193[0] : i32 from vector<1xi32>
      %add3A_195 = arith.constant 11 : i32
      %add3A_196 = arith.addi %mul3A_59, %add3A_195 : i32
      %dma_start3A_197 = arith.constant 0 : i32
      %dma_start3A_198 = tpu.memref_slice %arg10[%add3A_196, %dma_start3A_197] : memref<256x32xf32, #tpu.memory_space<vmem>> -> memref<1x32xf32, #tpu.memory_space<vmem>>
      %dma_start3A_199 = arith.constant 0 : i32
      %dma_start3A_200 = tpu.memref_slice %arg2[%squeeze3A_194, %dma_start3A_199] : memref<1000000x32xf32, #tpu.memory_space<hbm>> -> memref<1x32xf32, #tpu.memory_space<hbm>>
      %dma_start3A_201 = arith.constant 0 : i32
      %dma_start3A_202 = tpu.memref_slice %arg10[%add3A_196, %dma_start3A_201] : memref<256x32xf32, #tpu.memory_space<vmem>> -> memref<1x32xf32, #tpu.memory_space<vmem>>
      %dma_start3A_203 = arith.constant 0 : i32
      %dma_start3A_204 = tpu.memref_slice %arg2[%squeeze3A_194, %dma_start3A_203] : memref<1000000x32xf32, #tpu.memory_space<hbm>> -> memref<1x32xf32, #tpu.memory_space<hbm>>
      tpu.enqueue_dma source(%dma_start3A_204 : memref<1x32xf32, #tpu.memory_space<hbm>>) target(%dma_start3A_202 : memref<1x32xf32, #tpu.memory_space<vmem>>) target_semaphore(%arg12 : memref<!tpu.dma_semaphore, #tpu.memory_space<semaphore_mem>>)
      %slice3A_205 = vector.extract_strided_slice %get3A_63 {offsets = [12], sizes = [1], strides = [1]} : vector<16xi32> to vector<1xi32>
      %squeeze3A_206 = vector.extract %slice3A_205[0] : i32 from vector<1xi32>
      %add3A_207 = arith.constant 12 : i32
      %add3A_208 = arith.addi %mul3A_59, %add3A_207 : i32
      %dma_start3A_209 = arith.constant 0 : i32
      %dma_start3A_210 = tpu.memref_slice %arg10[%add3A_208, %dma_start3A_209] : memref<256x32xf32, #tpu.memory_space<vmem>> -> memref<1x32xf32, #tpu.memory_space<vmem>>
      %dma_start3A_211 = arith.constant 0 : i32
      %dma_start3A_212 = tpu.memref_slice %arg2[%squeeze3A_206, %dma_start3A_211] : memref<1000000x32xf32, #tpu.memory_space<hbm>> -> memref<1x32xf32, #tpu.memory_space<hbm>>
      %dma_start3A_213 = arith.constant 0 : i32
      %dma_start3A_214 = tpu.memref_slice %arg10[%add3A_208, %dma_start3A_213] : memref<256x32xf32, #tpu.memory_space<vmem>> -> memref<1x32xf32, #tpu.memory_space<vmem>>
      %dma_start3A_215 = arith.constant 0 : i32
      %dma_start3A_216 = tpu.memref_slice %arg2[%squeeze3A_206, %dma_start3A_215] : memref<1000000x32xf32, #tpu.memory_space<hbm>> -> memref<1x32xf32, #tpu.memory_space<hbm>>
      tpu.enqueue_dma source(%dma_start3A_216 : memref<1x32xf32, #tpu.memory_space<hbm>>) target(%dma_start3A_214 : memref<1x32xf32, #tpu.memory_space<vmem>>) target_semaphore(%arg12 : memref<!tpu.dma_semaphore, #tpu.memory_space<semaphore_mem>>)
      %slice3A_217 = vector.extract_strided_slice %get3A_63 {offsets = [13], sizes = [1], strides = [1]} : vector<16xi32> to vector<1xi32>
      %squeeze3A_218 = vector.extract %slice3A_217[0] : i32 from vector<1xi32>
      %add3A_219 = arith.constant 13 : i32
      %add3A_220 = arith.addi %mul3A_59, %add3A_219 : i32
      %dma_start3A_221 = arith.constant 0 : i32
      %dma_start3A_222 = tpu.memref_slice %arg10[%add3A_220, %dma_start3A_221] : memref<256x32xf32, #tpu.memory_space<vmem>> -> memref<1x32xf32, #tpu.memory_space<vmem>>
      %dma_start3A_223 = arith.constant 0 : i32
      %dma_start3A_224 = tpu.memref_slice %arg2[%squeeze3A_218, %dma_start3A_223] : memref<1000000x32xf32, #tpu.memory_space<hbm>> -> memref<1x32xf32, #tpu.memory_space<hbm>>
      %dma_start3A_225 = arith.constant 0 : i32
      %dma_start3A_226 = tpu.memref_slice %arg10[%add3A_220, %dma_start3A_225] : memref<256x32xf32, #tpu.memory_space<vmem>> -> memref<1x32xf32, #tpu.memory_space<vmem>>
      %dma_start3A_227 = arith.constant 0 : i32
      %dma_start3A_228 = tpu.memref_slice %arg2[%squeeze3A_218, %dma_start3A_227] : memref<1000000x32xf32, #tpu.memory_space<hbm>> -> memref<1x32xf32, #tpu.memory_space<hbm>>
      tpu.enqueue_dma source(%dma_start3A_228 : memref<1x32xf32, #tpu.memory_space<hbm>>) target(%dma_start3A_226 : memref<1x32xf32, #tpu.memory_space<vmem>>) target_semaphore(%arg12 : memref<!tpu.dma_semaphore, #tpu.memory_space<semaphore_mem>>)
      %slice3A_229 = vector.extract_strided_slice %get3A_63 {offsets = [14], sizes = [1], strides = [1]} : vector<16xi32> to vector<1xi32>
      %squeeze3A_230 = vector.extract %slice3A_229[0] : i32 from vector<1xi32>
      %add3A_231 = arith.constant 14 : i32
      %add3A_232 = arith.addi %mul3A_59, %add3A_231 : i32
      %dma_start3A_233 = arith.constant 0 : i32
      %dma_start3A_234 = tpu.memref_slice %arg10[%add3A_232, %dma_start3A_233] : memref<256x32xf32, #tpu.memory_space<vmem>> -> memref<1x32xf32, #tpu.memory_space<vmem>>
      %dma_start3A_235 = arith.constant 0 : i32
      %dma_start3A_236 = tpu.memref_slice %arg2[%squeeze3A_230, %dma_start3A_235] : memref<1000000x32xf32, #tpu.memory_space<hbm>> -> memref<1x32xf32, #tpu.memory_space<hbm>>
      %dma_start3A_237 = arith.constant 0 : i32
      %dma_start3A_238 = tpu.memref_slice %arg10[%add3A_232, %dma_start3A_237] : memref<256x32xf32, #tpu.memory_space<vmem>> -> memref<1x32xf32, #tpu.memory_space<vmem>>
      %dma_start3A_239 = arith.constant 0 : i32
      %dma_start3A_240 = tpu.memref_slice %arg2[%squeeze3A_230, %dma_start3A_239] : memref<1000000x32xf32, #tpu.memory_space<hbm>> -> memref<1x32xf32, #tpu.memory_space<hbm>>
      tpu.enqueue_dma source(%dma_start3A_240 : memref<1x32xf32, #tpu.memory_space<hbm>>) target(%dma_start3A_238 : memref<1x32xf32, #tpu.memory_space<vmem>>) target_semaphore(%arg12 : memref<!tpu.dma_semaphore, #tpu.memory_space<semaphore_mem>>)
      %slice3A_241 = vector.extract_strided_slice %get3A_63 {offsets = [15], sizes = [1], strides = [1]} : vector<16xi32> to vector<1xi32>
      %squeeze3A_242 = vector.extract %slice3A_241[0] : i32 from vector<1xi32>
      %add3A_243 = arith.constant 15 : i32
      %add3A_244 = arith.addi %mul3A_59, %add3A_243 : i32
      %dma_start3A_245 = arith.constant 0 : i32
      %dma_start3A_246 = tpu.memref_slice %arg10[%add3A_244, %dma_start3A_245] : memref<256x32xf32, #tpu.memory_space<vmem>> -> memref<1x32xf32, #tpu.memory_space<vmem>>
      %dma_start3A_247 = arith.constant 0 : i32
      %dma_start3A_248 = tpu.memref_slice %arg2[%squeeze3A_242, %dma_start3A_247] : memref<1000000x32xf32, #tpu.memory_space<hbm>> -> memref<1x32xf32, #tpu.memory_space<hbm>>
      %dma_start3A_249 = arith.constant 0 : i32
      %dma_start3A_250 = tpu.memref_slice %arg10[%add3A_244, %dma_start3A_249] : memref<256x32xf32, #tpu.memory_space<vmem>> -> memref<1x32xf32, #tpu.memory_space<vmem>>
      %dma_start3A_251 = arith.constant 0 : i32
      %dma_start3A_252 = tpu.memref_slice %arg2[%squeeze3A_242, %dma_start3A_251] : memref<1000000x32xf32, #tpu.memory_space<hbm>> -> memref<1x32xf32, #tpu.memory_space<hbm>>
      tpu.enqueue_dma source(%dma_start3A_252 : memref<1x32xf32, #tpu.memory_space<hbm>>) target(%dma_start3A_250 : memref<1x32xf32, #tpu.memory_space<vmem>>) target_semaphore(%arg12 : memref<!tpu.dma_semaphore, #tpu.memory_space<semaphore_mem>>)
    }
    %scan3A_7 = arith.constant 16 : i32
    %dma_wait3A = arith.constant 0 : i32
    %dma_wait3A_8 = arith.constant 0 : i32
    %dma_wait3A_9 = tpu.memref_slice %arg2[%dma_wait3A, %dma_wait3A_8] : memref<1000000x32xf32, #tpu.memory_space<hbm>> -> memref<256x32xf32, #tpu.memory_space<hbm>>
    %dma_wait3A_10 = arith.constant 0 : i32
    %dma_wait3A_11 = arith.constant 0 : i32
    %dma_wait3A_12 = tpu.memref_slice %arg2[%dma_wait3A_10, %dma_wait3A_11] : memref<1000000x32xf32, #tpu.memory_space<hbm>> -> memref<256x32xf32, #tpu.memory_space<hbm>>
    tpu.wait_dma2 semaphore(%arg12 : memref<!tpu.dma_semaphore, #tpu.memory_space<semaphore_mem>>) src(%dma_wait3A_12 : memref<256x32xf32, #tpu.memory_space<hbm>>) dst(%arg10 : memref<256x32xf32, #tpu.memory_space<vmem>>)
    %add3A_13 = arith.constant 0 : i32
    %add3A_14 = arith.addi %mul3A_2, %add3A_13 : i32
    "tpu.region"() ({
      %run_scoped3A = tpu.sem_alloc : memref<!tpu.dma_semaphore, #tpu.memory_space<semaphore_mem>>
      %dma_start3A = arith.constant 0 : i32
      %dma_start3A_57 = tpu.memref_slice %arg6[%add3A_14, %dma_start3A] : memref<16384x32xf32, #tpu.memory_space<hbm>> -> memref<256x32xf32, #tpu.memory_space<hbm>>
      %dma_start3A_58 = arith.constant 0 : i32
      %dma_start3A_59 = tpu.memref_slice %arg6[%add3A_14, %dma_start3A_58] : memref<16384x32xf32, #tpu.memory_space<hbm>> -> memref<256x32xf32, #tpu.memory_space<hbm>>
      tpu.enqueue_dma source(%arg10 : memref<256x32xf32, #tpu.memory_space<vmem>>) target(%dma_start3A_59 : memref<256x32xf32, #tpu.memory_space<hbm>>) target_semaphore(%run_scoped3A : memref<!tpu.dma_semaphore, #tpu.memory_space<semaphore_mem>>)
      %dma_wait3A_60 = arith.constant 0 : i32
      %dma_wait3A_61 = tpu.memref_slice %arg6[%add3A_14, %dma_wait3A_60] : memref<16384x32xf32, #tpu.memory_space<hbm>> -> memref<256x32xf32, #tpu.memory_space<hbm>>
      %dma_wait3A_62 = arith.constant 0 : i32
      %dma_wait3A_63 = tpu.memref_slice %arg6[%add3A_14, %dma_wait3A_62] : memref<16384x32xf32, #tpu.memory_space<hbm>> -> memref<256x32xf32, #tpu.memory_space<hbm>>
      tpu.wait_dma2 semaphore(%run_scoped3A : memref<!tpu.dma_semaphore, #tpu.memory_space<semaphore_mem>>) src(%arg10 : memref<256x32xf32, #tpu.memory_space<vmem>>) dst(%dma_wait3A_63 : memref<256x32xf32, #tpu.memory_space<hbm>>)
      tpu.yield
    }) : () -> ()
    %scan3A_15 = arith.constant 0 : i32
    %scan3A_16 = arith.constant 0 : i32
    %scan3A_17 = arith.constant 16 : i32
    %scan3A_18 = arith.addi %scan3A_16, %scan3A_17 : i32
    %scan3A_19 = arith.constant 1 : i32
    scf.for %scan3A_57 = %scan3A_16 to %scan3A_18 step %scan3A_19  : i32 {
      %mul3A_58 = arith.constant 16 : i32
      %mul3A_59 = arith.muli %scan3A_57, %mul3A_58 : i32
      %add3A_60 = arith.constant 256 : i32
      %add3A_61 = arith.addi %add3A_60, %mul3A_59 : i32
      %get3A = arith.index_cast %add3A_61 : i32 to index
      %get3A_62 = tpu.vector_load %arg8[%get3A] {strides = array<i32>} : memref<512xi32, #tpu.memory_space<vmem>>, vector<16xi32>,
      %get3A_63 = vector.shape_cast %get3A_62 : vector<16xi32> to vector<16xi32>
      %slice3A = vector.extract_strided_slice %get3A_63 {offsets = [0], sizes = [1], strides = [1]} : vector<16xi32> to vector<1xi32>
      %squeeze3A = vector.extract %slice3A[0] : i32 from vector<1xi32>
      %add3A_64 = arith.constant 0 : i32
      %add3A_65 = arith.addi %mul3A_59, %add3A_64 : i32
      %dma_start3A = arith.constant 0 : i32
      %dma_start3A_66 = tpu.memref_slice %arg11[%add3A_65, %dma_start3A] : memref<256x32xf32, #tpu.memory_space<vmem>> -> memref<1x32xf32, #tpu.memory_space<vmem>>
      %dma_start3A_67 = arith.constant 0 : i32
      %dma_start3A_68 = tpu.memref_slice %arg2[%squeeze3A, %dma_start3A_67] : memref<1000000x32xf32, #tpu.memory_space<hbm>> -> memref<1x32xf32, #tpu.memory_space<hbm>>
      %dma_start3A_69 = arith.constant 0 : i32
      %dma_start3A_70 = tpu.memref_slice %arg11[%add3A_65, %dma_start3A_69] : memref<256x32xf32, #tpu.memory_space<vmem>> -> memref<1x32xf32, #tpu.memory_space<vmem>>
      %dma_start3A_71 = arith.constant 0 : i32
      %dma_start3A_72 = tpu.memref_slice %arg2[%squeeze3A, %dma_start3A_71] : memref<1000000x32xf32, #tpu.memory_space<hbm>> -> memref<1x32xf32, #tpu.memory_space<hbm>>
      tpu.enqueue_dma source(%dma_start3A_72 : memref<1x32xf32, #tpu.memory_space<hbm>>) target(%dma_start3A_70 : memref<1x32xf32, #tpu.memory_space<vmem>>) target_semaphore(%arg13 : memref<!tpu.dma_semaphore, #tpu.memory_space<semaphore_mem>>)
      %slice3A_73 = vector.extract_strided_slice %get3A_63 {offsets = [1], sizes = [1], strides = [1]} : vector<16xi32> to vector<1xi32>
      %squeeze3A_74 = vector.extract %slice3A_73[0] : i32 from vector<1xi32>
      %add3A_75 = arith.constant 1 : i32
      %add3A_76 = arith.addi %mul3A_59, %add3A_75 : i32
      %dma_start3A_77 = arith.constant 0 : i32
      %dma_start3A_78 = tpu.memref_slice %arg11[%add3A_76, %dma_start3A_77] : memref<256x32xf32, #tpu.memory_space<vmem>> -> memref<1x32xf32, #tpu.memory_space<vmem>>
      %dma_start3A_79 = arith.constant 0 : i32
      %dma_start3A_80 = tpu.memref_slice %arg2[%squeeze3A_74, %dma_start3A_79] : memref<1000000x32xf32, #tpu.memory_space<hbm>> -> memref<1x32xf32, #tpu.memory_space<hbm>>
      %dma_start3A_81 = arith.constant 0 : i32
      %dma_start3A_82 = tpu.memref_slice %arg11[%add3A_76, %dma_start3A_81] : memref<256x32xf32, #tpu.memory_space<vmem>> -> memref<1x32xf32, #tpu.memory_space<vmem>>
      %dma_start3A_83 = arith.constant 0 : i32
      %dma_start3A_84 = tpu.memref_slice %arg2[%squeeze3A_74, %dma_start3A_83] : memref<1000000x32xf32, #tpu.memory_space<hbm>> -> memref<1x32xf32, #tpu.memory_space<hbm>>
      tpu.enqueue_dma source(%dma_start3A_84 : memref<1x32xf32, #tpu.memory_space<hbm>>) target(%dma_start3A_82 : memref<1x32xf32, #tpu.memory_space<vmem>>) target_semaphore(%arg13 : memref<!tpu.dma_semaphore, #tpu.memory_space<semaphore_mem>>)
      %slice3A_85 = vector.extract_strided_slice %get3A_63 {offsets = [2], sizes = [1], strides = [1]} : vector<16xi32> to vector<1xi32>
      %squeeze3A_86 = vector.extract %slice3A_85[0] : i32 from vector<1xi32>
      %add3A_87 = arith.constant 2 : i32
      %add3A_88 = arith.addi %mul3A_59, %add3A_87 : i32
      %dma_start3A_89 = arith.constant 0 : i32
      %dma_start3A_90 = tpu.memref_slice %arg11[%add3A_88, %dma_start3A_89] : memref<256x32xf32, #tpu.memory_space<vmem>> -> memref<1x32xf32, #tpu.memory_space<vmem>>
      %dma_start3A_91 = arith.constant 0 : i32
      %dma_start3A_92 = tpu.memref_slice %arg2[%squeeze3A_86, %dma_start3A_91] : memref<1000000x32xf32, #tpu.memory_space<hbm>> -> memref<1x32xf32, #tpu.memory_space<hbm>>
      %dma_start3A_93 = arith.constant 0 : i32
      %dma_start3A_94 = tpu.memref_slice %arg11[%add3A_88, %dma_start3A_93] : memref<256x32xf32, #tpu.memory_space<vmem>> -> memref<1x32xf32, #tpu.memory_space<vmem>>
      %dma_start3A_95 = arith.constant 0 : i32
      %dma_start3A_96 = tpu.memref_slice %arg2[%squeeze3A_86, %dma_start3A_95] : memref<1000000x32xf32, #tpu.memory_space<hbm>> -> memref<1x32xf32, #tpu.memory_space<hbm>>
      tpu.enqueue_dma source(%dma_start3A_96 : memref<1x32xf32, #tpu.memory_space<hbm>>) target(%dma_start3A_94 : memref<1x32xf32, #tpu.memory_space<vmem>>) target_semaphore(%arg13 : memref<!tpu.dma_semaphore, #tpu.memory_space<semaphore_mem>>)
      %slice3A_97 = vector.extract_strided_slice %get3A_63 {offsets = [3], sizes = [1], strides = [1]} : vector<16xi32> to vector<1xi32>
      %squeeze3A_98 = vector.extract %slice3A_97[0] : i32 from vector<1xi32>
      %add3A_99 = arith.constant 3 : i32
      %add3A_100 = arith.addi %mul3A_59, %add3A_99 : i32
      %dma_start3A_101 = arith.constant 0 : i32
      %dma_start3A_102 = tpu.memref_slice %arg11[%add3A_100, %dma_start3A_101] : memref<256x32xf32, #tpu.memory_space<vmem>> -> memref<1x32xf32, #tpu.memory_space<vmem>>
      %dma_start3A_103 = arith.constant 0 : i32
      %dma_start3A_104 = tpu.memref_slice %arg2[%squeeze3A_98, %dma_start3A_103] : memref<1000000x32xf32, #tpu.memory_space<hbm>> -> memref<1x32xf32, #tpu.memory_space<hbm>>
      %dma_start3A_105 = arith.constant 0 : i32
      %dma_start3A_106 = tpu.memref_slice %arg11[%add3A_100, %dma_start3A_105] : memref<256x32xf32, #tpu.memory_space<vmem>> -> memref<1x32xf32, #tpu.memory_space<vmem>>
      %dma_start3A_107 = arith.constant 0 : i32
      %dma_start3A_108 = tpu.memref_slice %arg2[%squeeze3A_98, %dma_start3A_107] : memref<1000000x32xf32, #tpu.memory_space<hbm>> -> memref<1x32xf32, #tpu.memory_space<hbm>>
      tpu.enqueue_dma source(%dma_start3A_108 : memref<1x32xf32, #tpu.memory_space<hbm>>) target(%dma_start3A_106 : memref<1x32xf32, #tpu.memory_space<vmem>>) target_semaphore(%arg13 : memref<!tpu.dma_semaphore, #tpu.memory_space<semaphore_mem>>)
      %slice3A_109 = vector.extract_strided_slice %get3A_63 {offsets = [4], sizes = [1], strides = [1]} : vector<16xi32> to vector<1xi32>
      %squeeze3A_110 = vector.extract %slice3A_109[0] : i32 from vector<1xi32>
      %add3A_111 = arith.constant 4 : i32
      %add3A_112 = arith.addi %mul3A_59, %add3A_111 : i32
      %dma_start3A_113 = arith.constant 0 : i32
      %dma_start3A_114 = tpu.memref_slice %arg11[%add3A_112, %dma_start3A_113] : memref<256x32xf32, #tpu.memory_space<vmem>> -> memref<1x32xf32, #tpu.memory_space<vmem>>
      %dma_start3A_115 = arith.constant 0 : i32
      %dma_start3A_116 = tpu.memref_slice %arg2[%squeeze3A_110, %dma_start3A_115] : memref<1000000x32xf32, #tpu.memory_space<hbm>> -> memref<1x32xf32, #tpu.memory_space<hbm>>
      %dma_start3A_117 = arith.constant 0 : i32
      %dma_start3A_118 = tpu.memref_slice %arg11[%add3A_112, %dma_start3A_117] : memref<256x32xf32, #tpu.memory_space<vmem>> -> memref<1x32xf32, #tpu.memory_space<vmem>>
      %dma_start3A_119 = arith.constant 0 : i32
      %dma_start3A_120 = tpu.memref_slice %arg2[%squeeze3A_110, %dma_start3A_119] : memref<1000000x32xf32, #tpu.memory_space<hbm>> -> memref<1x32xf32, #tpu.memory_space<hbm>>
      tpu.enqueue_dma source(%dma_start3A_120 : memref<1x32xf32, #tpu.memory_space<hbm>>) target(%dma_start3A_118 : memref<1x32xf32, #tpu.memory_space<vmem>>) target_semaphore(%arg13 : memref<!tpu.dma_semaphore, #tpu.memory_space<semaphore_mem>>)
      %slice3A_121 = vector.extract_strided_slice %get3A_63 {offsets = [5], sizes = [1], strides = [1]} : vector<16xi32> to vector<1xi32>
      %squeeze3A_122 = vector.extract %slice3A_121[0] : i32 from vector<1xi32>
      %add3A_123 = arith.constant 5 : i32
      %add3A_124 = arith.addi %mul3A_59, %add3A_123 : i32
      %dma_start3A_125 = arith.constant 0 : i32
      %dma_start3A_126 = tpu.memref_slice %arg11[%add3A_124, %dma_start3A_125] : memref<256x32xf32, #tpu.memory_space<vmem>> -> memref<1x32xf32, #tpu.memory_space<vmem>>
      %dma_start3A_127 = arith.constant 0 : i32
      %dma_start3A_128 = tpu.memref_slice %arg2[%squeeze3A_122, %dma_start3A_127] : memref<1000000x32xf32, #tpu.memory_space<hbm>> -> memref<1x32xf32, #tpu.memory_space<hbm>>
      %dma_start3A_129 = arith.constant 0 : i32
      %dma_start3A_130 = tpu.memref_slice %arg11[%add3A_124, %dma_start3A_129] : memref<256x32xf32, #tpu.memory_space<vmem>> -> memref<1x32xf32, #tpu.memory_space<vmem>>
      %dma_start3A_131 = arith.constant 0 : i32
      %dma_start3A_132 = tpu.memref_slice %arg2[%squeeze3A_122, %dma_start3A_131] : memref<1000000x32xf32, #tpu.memory_space<hbm>> -> memref<1x32xf32, #tpu.memory_space<hbm>>
      tpu.enqueue_dma source(%dma_start3A_132 : memref<1x32xf32, #tpu.memory_space<hbm>>) target(%dma_start3A_130 : memref<1x32xf32, #tpu.memory_space<vmem>>) target_semaphore(%arg13 : memref<!tpu.dma_semaphore, #tpu.memory_space<semaphore_mem>>)
      %slice3A_133 = vector.extract_strided_slice %get3A_63 {offsets = [6], sizes = [1], strides = [1]} : vector<16xi32> to vector<1xi32>
      %squeeze3A_134 = vector.extract %slice3A_133[0] : i32 from vector<1xi32>
      %add3A_135 = arith.constant 6 : i32
      %add3A_136 = arith.addi %mul3A_59, %add3A_135 : i32
      %dma_start3A_137 = arith.constant 0 : i32
      %dma_start3A_138 = tpu.memref_slice %arg11[%add3A_136, %dma_start3A_137] : memref<256x32xf32, #tpu.memory_space<vmem>> -> memref<1x32xf32, #tpu.memory_space<vmem>>
      %dma_start3A_139 = arith.constant 0 : i32
      %dma_start3A_140 = tpu.memref_slice %arg2[%squeeze3A_134, %dma_start3A_139] : memref<1000000x32xf32, #tpu.memory_space<hbm>> -> memref<1x32xf32, #tpu.memory_space<hbm>>
      %dma_start3A_141 = arith.constant 0 : i32
      %dma_start3A_142 = tpu.memref_slice %arg11[%add3A_136, %dma_start3A_141] : memref<256x32xf32, #tpu.memory_space<vmem>> -> memref<1x32xf32, #tpu.memory_space<vmem>>
      %dma_start3A_143 = arith.constant 0 : i32
      %dma_start3A_144 = tpu.memref_slice %arg2[%squeeze3A_134, %dma_start3A_143] : memref<1000000x32xf32, #tpu.memory_space<hbm>> -> memref<1x32xf32, #tpu.memory_space<hbm>>
      tpu.enqueue_dma source(%dma_start3A_144 : memref<1x32xf32, #tpu.memory_space<hbm>>) target(%dma_start3A_142 : memref<1x32xf32, #tpu.memory_space<vmem>>) target_semaphore(%arg13 : memref<!tpu.dma_semaphore, #tpu.memory_space<semaphore_mem>>)
      %slice3A_145 = vector.extract_strided_slice %get3A_63 {offsets = [7], sizes = [1], strides = [1]} : vector<16xi32> to vector<1xi32>
      %squeeze3A_146 = vector.extract %slice3A_145[0] : i32 from vector<1xi32>
      %add3A_147 = arith.constant 7 : i32
      %add3A_148 = arith.addi %mul3A_59, %add3A_147 : i32
      %dma_start3A_149 = arith.constant 0 : i32
      %dma_start3A_150 = tpu.memref_slice %arg11[%add3A_148, %dma_start3A_149] : memref<256x32xf32, #tpu.memory_space<vmem>> -> memref<1x32xf32, #tpu.memory_space<vmem>>
      %dma_start3A_151 = arith.constant 0 : i32
      %dma_start3A_152 = tpu.memref_slice %arg2[%squeeze3A_146, %dma_start3A_151] : memref<1000000x32xf32, #tpu.memory_space<hbm>> -> memref<1x32xf32, #tpu.memory_space<hbm>>
      %dma_start3A_153 = arith.constant 0 : i32
      %dma_start3A_154 = tpu.memref_slice %arg11[%add3A_148, %dma_start3A_153] : memref<256x32xf32, #tpu.memory_space<vmem>> -> memref<1x32xf32, #tpu.memory_space<vmem>>
      %dma_start3A_155 = arith.constant 0 : i32
      %dma_start3A_156 = tpu.memref_slice %arg2[%squeeze3A_146, %dma_start3A_155] : memref<1000000x32xf32, #tpu.memory_space<hbm>> -> memref<1x32xf32, #tpu.memory_space<hbm>>
      tpu.enqueue_dma source(%dma_start3A_156 : memref<1x32xf32, #tpu.memory_space<hbm>>) target(%dma_start3A_154 : memref<1x32xf32, #tpu.memory_space<vmem>>) target_semaphore(%arg13 : memref<!tpu.dma_semaphore, #tpu.memory_space<semaphore_mem>>)
      %slice3A_157 = vector.extract_strided_slice %get3A_63 {offsets = [8], sizes = [1], strides = [1]} : vector<16xi32> to vector<1xi32>
      %squeeze3A_158 = vector.extract %slice3A_157[0] : i32 from vector<1xi32>
      %add3A_159 = arith.constant 8 : i32
      %add3A_160 = arith.addi %mul3A_59, %add3A_159 : i32
      %dma_start3A_161 = arith.constant 0 : i32
      %dma_start3A_162 = tpu.memref_slice %arg11[%add3A_160, %dma_start3A_161] : memref<256x32xf32, #tpu.memory_space<vmem>> -> memref<1x32xf32, #tpu.memory_space<vmem>>
      %dma_start3A_163 = arith.constant 0 : i32
      %dma_start3A_164 = tpu.memref_slice %arg2[%squeeze3A_158, %dma_start3A_163] : memref<1000000x32xf32, #tpu.memory_space<hbm>> -> memref<1x32xf32, #tpu.memory_space<hbm>>
      %dma_start3A_165 = arith.constant 0 : i32
      %dma_start3A_166 = tpu.memref_slice %arg11[%add3A_160, %dma_start3A_165] : memref<256x32xf32, #tpu.memory_space<vmem>> -> memref<1x32xf32, #tpu.memory_space<vmem>>
      %dma_start3A_167 = arith.constant 0 : i32
      %dma_start3A_168 = tpu.memref_slice %arg2[%squeeze3A_158, %dma_start3A_167] : memref<1000000x32xf32, #tpu.memory_space<hbm>> -> memref<1x32xf32, #tpu.memory_space<hbm>>
      tpu.enqueue_dma source(%dma_start3A_168 : memref<1x32xf32, #tpu.memory_space<hbm>>) target(%dma_start3A_166 : memref<1x32xf32, #tpu.memory_space<vmem>>) target_semaphore(%arg13 : memref<!tpu.dma_semaphore, #tpu.memory_space<semaphore_mem>>)
      %slice3A_169 = vector.extract_strided_slice %get3A_63 {offsets = [9], sizes = [1], strides = [1]} : vector<16xi32> to vector<1xi32>
      %squeeze3A_170 = vector.extract %slice3A_169[0] : i32 from vector<1xi32>
      %add3A_171 = arith.constant 9 : i32
      %add3A_172 = arith.addi %mul3A_59, %add3A_171 : i32
      %dma_start3A_173 = arith.constant 0 : i32
      %dma_start3A_174 = tpu.memref_slice %arg11[%add3A_172, %dma_start3A_173] : memref<256x32xf32, #tpu.memory_space<vmem>> -> memref<1x32xf32, #tpu.memory_space<vmem>>
      %dma_start3A_175 = arith.constant 0 : i32
      %dma_start3A_176 = tpu.memref_slice %arg2[%squeeze3A_170, %dma_start3A_175] : memref<1000000x32xf32, #tpu.memory_space<hbm>> -> memref<1x32xf32, #tpu.memory_space<hbm>>
      %dma_start3A_177 = arith.constant 0 : i32
      %dma_start3A_178 = tpu.memref_slice %arg11[%add3A_172, %dma_start3A_177] : memref<256x32xf32, #tpu.memory_space<vmem>> -> memref<1x32xf32, #tpu.memory_space<vmem>>
      %dma_start3A_179 = arith.constant 0 : i32
      %dma_start3A_180 = tpu.memref_slice %arg2[%squeeze3A_170, %dma_start3A_179] : memref<1000000x32xf32, #tpu.memory_space<hbm>> -> memref<1x32xf32, #tpu.memory_space<hbm>>
      tpu.enqueue_dma source(%dma_start3A_180 : memref<1x32xf32, #tpu.memory_space<hbm>>) target(%dma_start3A_178 : memref<1x32xf32, #tpu.memory_space<vmem>>) target_semaphore(%arg13 : memref<!tpu.dma_semaphore, #tpu.memory_space<semaphore_mem>>)
      %slice3A_181 = vector.extract_strided_slice %get3A_63 {offsets = [10], sizes = [1], strides = [1]} : vector<16xi32> to vector<1xi32>
      %squeeze3A_182 = vector.extract %slice3A_181[0] : i32 from vector<1xi32>
      %add3A_183 = arith.constant 10 : i32
      %add3A_184 = arith.addi %mul3A_59, %add3A_183 : i32
      %dma_start3A_185 = arith.constant 0 : i32
      %dma_start3A_186 = tpu.memref_slice %arg11[%add3A_184, %dma_start3A_185] : memref<256x32xf32, #tpu.memory_space<vmem>> -> memref<1x32xf32, #tpu.memory_space<vmem>>
      %dma_start3A_187 = arith.constant 0 : i32
      %dma_start3A_188 = tpu.memref_slice %arg2[%squeeze3A_182, %dma_start3A_187] : memref<1000000x32xf32, #tpu.memory_space<hbm>> -> memref<1x32xf32, #tpu.memory_space<hbm>>
      %dma_start3A_189 = arith.constant 0 : i32
      %dma_start3A_190 = tpu.memref_slice %arg11[%add3A_184, %dma_start3A_189] : memref<256x32xf32, #tpu.memory_space<vmem>> -> memref<1x32xf32, #tpu.memory_space<vmem>>
      %dma_start3A_191 = arith.constant 0 : i32
      %dma_start3A_192 = tpu.memref_slice %arg2[%squeeze3A_182, %dma_start3A_191] : memref<1000000x32xf32, #tpu.memory_space<hbm>> -> memref<1x32xf32, #tpu.memory_space<hbm>>
      tpu.enqueue_dma source(%dma_start3A_192 : memref<1x32xf32, #tpu.memory_space<hbm>>) target(%dma_start3A_190 : memref<1x32xf32, #tpu.memory_space<vmem>>) target_semaphore(%arg13 : memref<!tpu.dma_semaphore, #tpu.memory_space<semaphore_mem>>)
      %slice3A_193 = vector.extract_strided_slice %get3A_63 {offsets = [11], sizes = [1], strides = [1]} : vector<16xi32> to vector<1xi32>
      %squeeze3A_194 = vector.extract %slice3A_193[0] : i32 from vector<1xi32>
      %add3A_195 = arith.constant 11 : i32
      %add3A_196 = arith.addi %mul3A_59, %add3A_195 : i32
      %dma_start3A_197 = arith.constant 0 : i32
      %dma_start3A_198 = tpu.memref_slice %arg11[%add3A_196, %dma_start3A_197] : memref<256x32xf32, #tpu.memory_space<vmem>> -> memref<1x32xf32, #tpu.memory_space<vmem>>
      %dma_start3A_199 = arith.constant 0 : i32
      %dma_start3A_200 = tpu.memref_slice %arg2[%squeeze3A_194, %dma_start3A_199] : memref<1000000x32xf32, #tpu.memory_space<hbm>> -> memref<1x32xf32, #tpu.memory_space<hbm>>
      %dma_start3A_201 = arith.constant 0 : i32
      %dma_start3A_202 = tpu.memref_slice %arg11[%add3A_196, %dma_start3A_201] : memref<256x32xf32, #tpu.memory_space<vmem>> -> memref<1x32xf32, #tpu.memory_space<vmem>>
      %dma_start3A_203 = arith.constant 0 : i32
      %dma_start3A_204 = tpu.memref_slice %arg2[%squeeze3A_194, %dma_start3A_203] : memref<1000000x32xf32, #tpu.memory_space<hbm>> -> memref<1x32xf32, #tpu.memory_space<hbm>>
      tpu.enqueue_dma source(%dma_start3A_204 : memref<1x32xf32, #tpu.memory_space<hbm>>) target(%dma_start3A_202 : memref<1x32xf32, #tpu.memory_space<vmem>>) target_semaphore(%arg13 : memref<!tpu.dma_semaphore, #tpu.memory_space<semaphore_mem>>)
      %slice3A_205 = vector.extract_strided_slice %get3A_63 {offsets = [12], sizes = [1], strides = [1]} : vector<16xi32> to vector<1xi32>
      %squeeze3A_206 = vector.extract %slice3A_205[0] : i32 from vector<1xi32>
      %add3A_207 = arith.constant 12 : i32
      %add3A_208 = arith.addi %mul3A_59, %add3A_207 : i32
      %dma_start3A_209 = arith.constant 0 : i32
      %dma_start3A_210 = tpu.memref_slice %arg11[%add3A_208, %dma_start3A_209] : memref<256x32xf32, #tpu.memory_space<vmem>> -> memref<1x32xf32, #tpu.memory_space<vmem>>
      %dma_start3A_211 = arith.constant 0 : i32
      %dma_start3A_212 = tpu.memref_slice %arg2[%squeeze3A_206, %dma_start3A_211] : memref<1000000x32xf32, #tpu.memory_space<hbm>> -> memref<1x32xf32, #tpu.memory_space<hbm>>
      %dma_start3A_213 = arith.constant 0 : i32
      %dma_start3A_214 = tpu.memref_slice %arg11[%add3A_208, %dma_start3A_213] : memref<256x32xf32, #tpu.memory_space<vmem>> -> memref<1x32xf32, #tpu.memory_space<vmem>>
      %dma_start3A_215 = arith.constant 0 : i32
      %dma_start3A_216 = tpu.memref_slice %arg2[%squeeze3A_206, %dma_start3A_215] : memref<1000000x32xf32, #tpu.memory_space<hbm>> -> memref<1x32xf32, #tpu.memory_space<hbm>>
      tpu.enqueue_dma source(%dma_start3A_216 : memref<1x32xf32, #tpu.memory_space<hbm>>) target(%dma_start3A_214 : memref<1x32xf32, #tpu.memory_space<vmem>>) target_semaphore(%arg13 : memref<!tpu.dma_semaphore, #tpu.memory_space<semaphore_mem>>)
      %slice3A_217 = vector.extract_strided_slice %get3A_63 {offsets = [13], sizes = [1], strides = [1]} : vector<16xi32> to vector<1xi32>
      %squeeze3A_218 = vector.extract %slice3A_217[0] : i32 from vector<1xi32>
      %add3A_219 = arith.constant 13 : i32
      %add3A_220 = arith.addi %mul3A_59, %add3A_219 : i32
      %dma_start3A_221 = arith.constant 0 : i32
      %dma_start3A_222 = tpu.memref_slice %arg11[%add3A_220, %dma_start3A_221] : memref<256x32xf32, #tpu.memory_space<vmem>> -> memref<1x32xf32, #tpu.memory_space<vmem>>
      %dma_start3A_223 = arith.constant 0 : i32
      %dma_start3A_224 = tpu.memref_slice %arg2[%squeeze3A_218, %dma_start3A_223] : memref<1000000x32xf32, #tpu.memory_space<hbm>> -> memref<1x32xf32, #tpu.memory_space<hbm>>
      %dma_start3A_225 = arith.constant 0 : i32
      %dma_start3A_226 = tpu.memref_slice %arg11[%add3A_220, %dma_start3A_225] : memref<256x32xf32, #tpu.memory_space<vmem>> -> memref<1x32xf32, #tpu.memory_space<vmem>>
      %dma_start3A_227 = arith.constant 0 : i32
      %dma_start3A_228 = tpu.memref_slice %arg2[%squeeze3A_218, %dma_start3A_227] : memref<1000000x32xf32, #tpu.memory_space<hbm>> -> memref<1x32xf32, #tpu.memory_space<hbm>>
      tpu.enqueue_dma source(%dma_start3A_228 : memref<1x32xf32, #tpu.memory_space<hbm>>) target(%dma_start3A_226 : memref<1x32xf32, #tpu.memory_space<vmem>>) target_semaphore(%arg13 : memref<!tpu.dma_semaphore, #tpu.memory_space<semaphore_mem>>)
      %slice3A_229 = vector.extract_strided_slice %get3A_63 {offsets = [14], sizes = [1], strides = [1]} : vector<16xi32> to vector<1xi32>
      %squeeze3A_230 = vector.extract %slice3A_229[0] : i32 from vector<1xi32>
      %add3A_231 = arith.constant 14 : i32
      %add3A_232 = arith.addi %mul3A_59, %add3A_231 : i32
      %dma_start3A_233 = arith.constant 0 : i32
      %dma_start3A_234 = tpu.memref_slice %arg11[%add3A_232, %dma_start3A_233] : memref<256x32xf32, #tpu.memory_space<vmem>> -> memref<1x32xf32, #tpu.memory_space<vmem>>
      %dma_start3A_235 = arith.constant 0 : i32
      %dma_start3A_236 = tpu.memref_slice %arg2[%squeeze3A_230, %dma_start3A_235] : memref<1000000x32xf32, #tpu.memory_space<hbm>> -> memref<1x32xf32, #tpu.memory_space<hbm>>
      %dma_start3A_237 = arith.constant 0 : i32
      %dma_start3A_238 = tpu.memref_slice %arg11[%add3A_232, %dma_start3A_237] : memref<256x32xf32, #tpu.memory_space<vmem>> -> memref<1x32xf32, #tpu.memory_space<vmem>>
      %dma_start3A_239 = arith.constant 0 : i32
      %dma_start3A_240 = tpu.memref_slice %arg2[%squeeze3A_230, %dma_start3A_239] : memref<1000000x32xf32, #tpu.memory_space<hbm>> -> memref<1x32xf32, #tpu.memory_space<hbm>>
      tpu.enqueue_dma source(%dma_start3A_240 : memref<1x32xf32, #tpu.memory_space<hbm>>) target(%dma_start3A_238 : memref<1x32xf32, #tpu.memory_space<vmem>>) target_semaphore(%arg13 : memref<!tpu.dma_semaphore, #tpu.memory_space<semaphore_mem>>)
      %slice3A_241 = vector.extract_strided_slice %get3A_63 {offsets = [15], sizes = [1], strides = [1]} : vector<16xi32> to vector<1xi32>
      %squeeze3A_242 = vector.extract %slice3A_241[0] : i32 from vector<1xi32>
      %add3A_243 = arith.constant 15 : i32
      %add3A_244 = arith.addi %mul3A_59, %add3A_243 : i32
      %dma_start3A_245 = arith.constant 0 : i32
      %dma_start3A_246 = tpu.memref_slice %arg11[%add3A_244, %dma_start3A_245] : memref<256x32xf32, #tpu.memory_space<vmem>> -> memref<1x32xf32, #tpu.memory_space<vmem>>
      %dma_start3A_247 = arith.constant 0 : i32
      %dma_start3A_248 = tpu.memref_slice %arg2[%squeeze3A_242, %dma_start3A_247] : memref<1000000x32xf32, #tpu.memory_space<hbm>> -> memref<1x32xf32, #tpu.memory_space<hbm>>
      %dma_start3A_249 = arith.constant 0 : i32
      %dma_start3A_250 = tpu.memref_slice %arg11[%add3A_244, %dma_start3A_249] : memref<256x32xf32, #tpu.memory_space<vmem>> -> memref<1x32xf32, #tpu.memory_space<vmem>>
      %dma_start3A_251 = arith.constant 0 : i32
      %dma_start3A_252 = tpu.memref_slice %arg2[%squeeze3A_242, %dma_start3A_251] : memref<1000000x32xf32, #tpu.memory_space<hbm>> -> memref<1x32xf32, #tpu.memory_space<hbm>>
      tpu.enqueue_dma source(%dma_start3A_252 : memref<1x32xf32, #tpu.memory_space<hbm>>) target(%dma_start3A_250 : memref<1x32xf32, #tpu.memory_space<vmem>>) target_semaphore(%arg13 : memref<!tpu.dma_semaphore, #tpu.memory_space<semaphore_mem>>)
    }
    %scan3A_20 = arith.constant 16 : i32
    %dma_wait3A_21 = arith.constant 0 : i32
    %dma_wait3A_22 = arith.constant 0 : i32
    %dma_wait3A_23 = tpu.memref_slice %arg2[%dma_wait3A_21, %dma_wait3A_22] : memref<1000000x32xf32, #tpu.memory_space<hbm>> -> memref<256x32xf32, #tpu.memory_space<hbm>>
    %dma_wait3A_24 = arith.constant 0 : i32
    %dma_wait3A_25 = arith.constant 0 : i32
    %dma_wait3A_26 = tpu.memref_slice %arg2[%dma_wait3A_24, %dma_wait3A_25] : memref<1000000x32xf32, #tpu.memory_space<hbm>> -> memref<256x32xf32, #tpu.memory_space<hbm>>
    tpu.wait_dma2 semaphore(%arg13 : memref<!tpu.dma_semaphore, #tpu.memory_space<semaphore_mem>>) src(%dma_wait3A_26 : memref<256x32xf32, #tpu.memory_space<hbm>>) dst(%arg11 : memref<256x32xf32, #tpu.memory_space<vmem>>)
    %add3A_27 = arith.constant 256 : i32
    %add3A_28 = arith.addi %mul3A_2, %add3A_27 : i32
    "tpu.region"() ({
      %run_scoped3A = tpu.sem_alloc : memref<!tpu.dma_semaphore, #tpu.memory_space<semaphore_mem>>
      %dma_start3A = arith.constant 0 : i32
      %dma_start3A_57 = tpu.memref_slice %arg6[%add3A_28, %dma_start3A] : memref<16384x32xf32, #tpu.memory_space<hbm>> -> memref<256x32xf32, #tpu.memory_space<hbm>>
      %dma_start3A_58 = arith.constant 0 : i32
      %dma_start3A_59 = tpu.memref_slice %arg6[%add3A_28, %dma_start3A_58] : memref<16384x32xf32, #tpu.memory_space<hbm>> -> memref<256x32xf32, #tpu.memory_space<hbm>>
      tpu.enqueue_dma source(%arg11 : memref<256x32xf32, #tpu.memory_space<vmem>>) target(%dma_start3A_59 : memref<256x32xf32, #tpu.memory_space<hbm>>) target_semaphore(%run_scoped3A : memref<!tpu.dma_semaphore, #tpu.memory_space<semaphore_mem>>)
      %dma_wait3A_60 = arith.constant 0 : i32
      %dma_wait3A_61 = tpu.memref_slice %arg6[%add3A_28, %dma_wait3A_60] : memref<16384x32xf32, #tpu.memory_space<hbm>> -> memref<256x32xf32, #tpu.memory_space<hbm>>
      %dma_wait3A_62 = arith.constant 0 : i32
      %dma_wait3A_63 = tpu.memref_slice %arg6[%add3A_28, %dma_wait3A_62] : memref<16384x32xf32, #tpu.memory_space<hbm>> -> memref<256x32xf32, #tpu.memory_space<hbm>>
      tpu.wait_dma2 semaphore(%run_scoped3A : memref<!tpu.dma_semaphore, #tpu.memory_space<semaphore_mem>>) src(%arg11 : memref<256x32xf32, #tpu.memory_space<vmem>>) dst(%dma_wait3A_63 : memref<256x32xf32, #tpu.memory_space<hbm>>)
      tpu.yield
    }) : () -> ()
    %scan3A_29 = arith.constant 0 : i32
    %scan3A_30 = arith.constant 0 : i32
    %scan3A_31 = arith.constant 16 : i32
    %scan3A_32 = arith.addi %scan3A_30, %scan3A_31 : i32
    %scan3A_33 = arith.constant 1 : i32
    scf.for %scan3A_57 = %scan3A_30 to %scan3A_32 step %scan3A_33  : i32 {
      %mul3A_58 = arith.constant 16 : i32
      %mul3A_59 = arith.muli %scan3A_57, %mul3A_58 : i32
      %add3A_60 = arith.constant 0 : i32
      %add3A_61 = arith.addi %add3A_60, %mul3A_59 : i32
      %get3A = arith.index_cast %add3A_61 : i32 to index
      %get3A_62 = tpu.vector_load %arg9[%get3A] {strides = array<i32>} : memref<512xi32, #tpu.memory_space<vmem>>, vector<16xi32>,
      %get3A_63 = vector.shape_cast %get3A_62 : vector<16xi32> to vector<16xi32>
      %slice3A = vector.extract_strided_slice %get3A_63 {offsets = [0], sizes = [1], strides = [1]} : vector<16xi32> to vector<1xi32>
      %squeeze3A = vector.extract %slice3A[0] : i32 from vector<1xi32>
      %add3A_64 = arith.constant 0 : i32
      %add3A_65 = arith.addi %mul3A_59, %add3A_64 : i32
      %dma_start3A = arith.constant 0 : i32
      %dma_start3A_66 = tpu.memref_slice %arg10[%add3A_65, %dma_start3A] : memref<256x32xf32, #tpu.memory_space<vmem>> -> memref<1x32xf32, #tpu.memory_space<vmem>>
      %dma_start3A_67 = arith.constant 0 : i32
      %dma_start3A_68 = tpu.memref_slice %arg3[%squeeze3A, %dma_start3A_67] : memref<1000000x32xf32, #tpu.memory_space<hbm>> -> memref<1x32xf32, #tpu.memory_space<hbm>>
      %dma_start3A_69 = arith.constant 0 : i32
      %dma_start3A_70 = tpu.memref_slice %arg10[%add3A_65, %dma_start3A_69] : memref<256x32xf32, #tpu.memory_space<vmem>> -> memref<1x32xf32, #tpu.memory_space<vmem>>
      %dma_start3A_71 = arith.constant 0 : i32
      %dma_start3A_72 = tpu.memref_slice %arg3[%squeeze3A, %dma_start3A_71] : memref<1000000x32xf32, #tpu.memory_space<hbm>> -> memref<1x32xf32, #tpu.memory_space<hbm>>
      tpu.enqueue_dma source(%dma_start3A_72 : memref<1x32xf32, #tpu.memory_space<hbm>>) target(%dma_start3A_70 : memref<1x32xf32, #tpu.memory_space<vmem>>) target_semaphore(%arg12 : memref<!tpu.dma_semaphore, #tpu.memory_space<semaphore_mem>>)
      %slice3A_73 = vector.extract_strided_slice %get3A_63 {offsets = [1], sizes = [1], strides = [1]} : vector<16xi32> to vector<1xi32>
      %squeeze3A_74 = vector.extract %slice3A_73[0] : i32 from vector<1xi32>
      %add3A_75 = arith.constant 1 : i32
      %add3A_76 = arith.addi %mul3A_59, %add3A_75 : i32
      %dma_start3A_77 = arith.constant 0 : i32
      %dma_start3A_78 = tpu.memref_slice %arg10[%add3A_76, %dma_start3A_77] : memref<256x32xf32, #tpu.memory_space<vmem>> -> memref<1x32xf32, #tpu.memory_space<vmem>>
      %dma_start3A_79 = arith.constant 0 : i32
      %dma_start3A_80 = tpu.memref_slice %arg3[%squeeze3A_74, %dma_start3A_79] : memref<1000000x32xf32, #tpu.memory_space<hbm>> -> memref<1x32xf32, #tpu.memory_space<hbm>>
      %dma_start3A_81 = arith.constant 0 : i32
      %dma_start3A_82 = tpu.memref_slice %arg10[%add3A_76, %dma_start3A_81] : memref<256x32xf32, #tpu.memory_space<vmem>> -> memref<1x32xf32, #tpu.memory_space<vmem>>
      %dma_start3A_83 = arith.constant 0 : i32
      %dma_start3A_84 = tpu.memref_slice %arg3[%squeeze3A_74, %dma_start3A_83] : memref<1000000x32xf32, #tpu.memory_space<hbm>> -> memref<1x32xf32, #tpu.memory_space<hbm>>
      tpu.enqueue_dma source(%dma_start3A_84 : memref<1x32xf32, #tpu.memory_space<hbm>>) target(%dma_start3A_82 : memref<1x32xf32, #tpu.memory_space<vmem>>) target_semaphore(%arg12 : memref<!tpu.dma_semaphore, #tpu.memory_space<semaphore_mem>>)
      %slice3A_85 = vector.extract_strided_slice %get3A_63 {offsets = [2], sizes = [1], strides = [1]} : vector<16xi32> to vector<1xi32>
      %squeeze3A_86 = vector.extract %slice3A_85[0] : i32 from vector<1xi32>
      %add3A_87 = arith.constant 2 : i32
      %add3A_88 = arith.addi %mul3A_59, %add3A_87 : i32
      %dma_start3A_89 = arith.constant 0 : i32
      %dma_start3A_90 = tpu.memref_slice %arg10[%add3A_88, %dma_start3A_89] : memref<256x32xf32, #tpu.memory_space<vmem>> -> memref<1x32xf32, #tpu.memory_space<vmem>>
      %dma_start3A_91 = arith.constant 0 : i32
      %dma_start3A_92 = tpu.memref_slice %arg3[%squeeze3A_86, %dma_start3A_91] : memref<1000000x32xf32, #tpu.memory_space<hbm>> -> memref<1x32xf32, #tpu.memory_space<hbm>>
      %dma_start3A_93 = arith.constant 0 : i32
      %dma_start3A_94 = tpu.memref_slice %arg10[%add3A_88, %dma_start3A_93] : memref<256x32xf32, #tpu.memory_space<vmem>> -> memref<1x32xf32, #tpu.memory_space<vmem>>
      %dma_start3A_95 = arith.constant 0 : i32
      %dma_start3A_96 = tpu.memref_slice %arg3[%squeeze3A_86, %dma_start3A_95] : memref<1000000x32xf32, #tpu.memory_space<hbm>> -> memref<1x32xf32, #tpu.memory_space<hbm>>
      tpu.enqueue_dma source(%dma_start3A_96 : memref<1x32xf32, #tpu.memory_space<hbm>>) target(%dma_start3A_94 : memref<1x32xf32, #tpu.memory_space<vmem>>) target_semaphore(%arg12 : memref<!tpu.dma_semaphore, #tpu.memory_space<semaphore_mem>>)
      %slice3A_97 = vector.extract_strided_slice %get3A_63 {offsets = [3], sizes = [1], strides = [1]} : vector<16xi32> to vector<1xi32>
      %squeeze3A_98 = vector.extract %slice3A_97[0] : i32 from vector<1xi32>
      %add3A_99 = arith.constant 3 : i32
      %add3A_100 = arith.addi %mul3A_59, %add3A_99 : i32
      %dma_start3A_101 = arith.constant 0 : i32
      %dma_start3A_102 = tpu.memref_slice %arg10[%add3A_100, %dma_start3A_101] : memref<256x32xf32, #tpu.memory_space<vmem>> -> memref<1x32xf32, #tpu.memory_space<vmem>>
      %dma_start3A_103 = arith.constant 0 : i32
      %dma_start3A_104 = tpu.memref_slice %arg3[%squeeze3A_98, %dma_start3A_103] : memref<1000000x32xf32, #tpu.memory_space<hbm>> -> memref<1x32xf32, #tpu.memory_space<hbm>>
      %dma_start3A_105 = arith.constant 0 : i32
      %dma_start3A_106 = tpu.memref_slice %arg10[%add3A_100, %dma_start3A_105] : memref<256x32xf32, #tpu.memory_space<vmem>> -> memref<1x32xf32, #tpu.memory_space<vmem>>
      %dma_start3A_107 = arith.constant 0 : i32
      %dma_start3A_108 = tpu.memref_slice %arg3[%squeeze3A_98, %dma_start3A_107] : memref<1000000x32xf32, #tpu.memory_space<hbm>> -> memref<1x32xf32, #tpu.memory_space<hbm>>
      tpu.enqueue_dma source(%dma_start3A_108 : memref<1x32xf32, #tpu.memory_space<hbm>>) target(%dma_start3A_106 : memref<1x32xf32, #tpu.memory_space<vmem>>) target_semaphore(%arg12 : memref<!tpu.dma_semaphore, #tpu.memory_space<semaphore_mem>>)
      %slice3A_109 = vector.extract_strided_slice %get3A_63 {offsets = [4], sizes = [1], strides = [1]} : vector<16xi32> to vector<1xi32>
      %squeeze3A_110 = vector.extract %slice3A_109[0] : i32 from vector<1xi32>
      %add3A_111 = arith.constant 4 : i32
      %add3A_112 = arith.addi %mul3A_59, %add3A_111 : i32
      %dma_start3A_113 = arith.constant 0 : i32
      %dma_start3A_114 = tpu.memref_slice %arg10[%add3A_112, %dma_start3A_113] : memref<256x32xf32, #tpu.memory_space<vmem>> -> memref<1x32xf32, #tpu.memory_space<vmem>>
      %dma_start3A_115 = arith.constant 0 : i32
      %dma_start3A_116 = tpu.memref_slice %arg3[%squeeze3A_110, %dma_start3A_115] : memref<1000000x32xf32, #tpu.memory_space<hbm>> -> memref<1x32xf32, #tpu.memory_space<hbm>>
      %dma_start3A_117 = arith.constant 0 : i32
      %dma_start3A_118 = tpu.memref_slice %arg10[%add3A_112, %dma_start3A_117] : memref<256x32xf32, #tpu.memory_space<vmem>> -> memref<1x32xf32, #tpu.memory_space<vmem>>
      %dma_start3A_119 = arith.constant 0 : i32
      %dma_start3A_120 = tpu.memref_slice %arg3[%squeeze3A_110, %dma_start3A_119] : memref<1000000x32xf32, #tpu.memory_space<hbm>> -> memref<1x32xf32, #tpu.memory_space<hbm>>
      tpu.enqueue_dma source(%dma_start3A_120 : memref<1x32xf32, #tpu.memory_space<hbm>>) target(%dma_start3A_118 : memref<1x32xf32, #tpu.memory_space<vmem>>) target_semaphore(%arg12 : memref<!tpu.dma_semaphore, #tpu.memory_space<semaphore_mem>>)
      %slice3A_121 = vector.extract_strided_slice %get3A_63 {offsets = [5], sizes = [1], strides = [1]} : vector<16xi32> to vector<1xi32>
      %squeeze3A_122 = vector.extract %slice3A_121[0] : i32 from vector<1xi32>
      %add3A_123 = arith.constant 5 : i32
      %add3A_124 = arith.addi %mul3A_59, %add3A_123 : i32
      %dma_start3A_125 = arith.constant 0 : i32
      %dma_start3A_126 = tpu.memref_slice %arg10[%add3A_124, %dma_start3A_125] : memref<256x32xf32, #tpu.memory_space<vmem>> -> memref<1x32xf32, #tpu.memory_space<vmem>>
      %dma_start3A_127 = arith.constant 0 : i32
      %dma_start3A_128 = tpu.memref_slice %arg3[%squeeze3A_122, %dma_start3A_127] : memref<1000000x32xf32, #tpu.memory_space<hbm>> -> memref<1x32xf32, #tpu.memory_space<hbm>>
      %dma_start3A_129 = arith.constant 0 : i32
      %dma_start3A_130 = tpu.memref_slice %arg10[%add3A_124, %dma_start3A_129] : memref<256x32xf32, #tpu.memory_space<vmem>> -> memref<1x32xf32, #tpu.memory_space<vmem>>
      %dma_start3A_131 = arith.constant 0 : i32
      %dma_start3A_132 = tpu.memref_slice %arg3[%squeeze3A_122, %dma_start3A_131] : memref<1000000x32xf32, #tpu.memory_space<hbm>> -> memref<1x32xf32, #tpu.memory_space<hbm>>
      tpu.enqueue_dma source(%dma_start3A_132 : memref<1x32xf32, #tpu.memory_space<hbm>>) target(%dma_start3A_130 : memref<1x32xf32, #tpu.memory_space<vmem>>) target_semaphore(%arg12 : memref<!tpu.dma_semaphore, #tpu.memory_space<semaphore_mem>>)
      %slice3A_133 = vector.extract_strided_slice %get3A_63 {offsets = [6], sizes = [1], strides = [1]} : vector<16xi32> to vector<1xi32>
      %squeeze3A_134 = vector.extract %slice3A_133[0] : i32 from vector<1xi32>
      %add3A_135 = arith.constant 6 : i32
      %add3A_136 = arith.addi %mul3A_59, %add3A_135 : i32
      %dma_start3A_137 = arith.constant 0 : i32
      %dma_start3A_138 = tpu.memref_slice %arg10[%add3A_136, %dma_start3A_137] : memref<256x32xf32, #tpu.memory_space<vmem>> -> memref<1x32xf32, #tpu.memory_space<vmem>>
      %dma_start3A_139 = arith.constant 0 : i32
      %dma_start3A_140 = tpu.memref_slice %arg3[%squeeze3A_134, %dma_start3A_139] : memref<1000000x32xf32, #tpu.memory_space<hbm>> -> memref<1x32xf32, #tpu.memory_space<hbm>>
      %dma_start3A_141 = arith.constant 0 : i32
      %dma_start3A_142 = tpu.memref_slice %arg10[%add3A_136, %dma_start3A_141] : memref<256x32xf32, #tpu.memory_space<vmem>> -> memref<1x32xf32, #tpu.memory_space<vmem>>
      %dma_start3A_143 = arith.constant 0 : i32
      %dma_start3A_144 = tpu.memref_slice %arg3[%squeeze3A_134, %dma_start3A_143] : memref<1000000x32xf32, #tpu.memory_space<hbm>> -> memref<1x32xf32, #tpu.memory_space<hbm>>
      tpu.enqueue_dma source(%dma_start3A_144 : memref<1x32xf32, #tpu.memory_space<hbm>>) target(%dma_start3A_142 : memref<1x32xf32, #tpu.memory_space<vmem>>) target_semaphore(%arg12 : memref<!tpu.dma_semaphore, #tpu.memory_space<semaphore_mem>>)
      %slice3A_145 = vector.extract_strided_slice %get3A_63 {offsets = [7], sizes = [1], strides = [1]} : vector<16xi32> to vector<1xi32>
      %squeeze3A_146 = vector.extract %slice3A_145[0] : i32 from vector<1xi32>
      %add3A_147 = arith.constant 7 : i32
      %add3A_148 = arith.addi %mul3A_59, %add3A_147 : i32
      %dma_start3A_149 = arith.constant 0 : i32
      %dma_start3A_150 = tpu.memref_slice %arg10[%add3A_148, %dma_start3A_149] : memref<256x32xf32, #tpu.memory_space<vmem>> -> memref<1x32xf32, #tpu.memory_space<vmem>>
      %dma_start3A_151 = arith.constant 0 : i32
      %dma_start3A_152 = tpu.memref_slice %arg3[%squeeze3A_146, %dma_start3A_151] : memref<1000000x32xf32, #tpu.memory_space<hbm>> -> memref<1x32xf32, #tpu.memory_space<hbm>>
      %dma_start3A_153 = arith.constant 0 : i32
      %dma_start3A_154 = tpu.memref_slice %arg10[%add3A_148, %dma_start3A_153] : memref<256x32xf32, #tpu.memory_space<vmem>> -> memref<1x32xf32, #tpu.memory_space<vmem>>
      %dma_start3A_155 = arith.constant 0 : i32
      %dma_start3A_156 = tpu.memref_slice %arg3[%squeeze3A_146, %dma_start3A_155] : memref<1000000x32xf32, #tpu.memory_space<hbm>> -> memref<1x32xf32, #tpu.memory_space<hbm>>
      tpu.enqueue_dma source(%dma_start3A_156 : memref<1x32xf32, #tpu.memory_space<hbm>>) target(%dma_start3A_154 : memref<1x32xf32, #tpu.memory_space<vmem>>) target_semaphore(%arg12 : memref<!tpu.dma_semaphore, #tpu.memory_space<semaphore_mem>>)
      %slice3A_157 = vector.extract_strided_slice %get3A_63 {offsets = [8], sizes = [1], strides = [1]} : vector<16xi32> to vector<1xi32>
      %squeeze3A_158 = vector.extract %slice3A_157[0] : i32 from vector<1xi32>
      %add3A_159 = arith.constant 8 : i32
      %add3A_160 = arith.addi %mul3A_59, %add3A_159 : i32
      %dma_start3A_161 = arith.constant 0 : i32
      %dma_start3A_162 = tpu.memref_slice %arg10[%add3A_160, %dma_start3A_161] : memref<256x32xf32, #tpu.memory_space<vmem>> -> memref<1x32xf32, #tpu.memory_space<vmem>>
      %dma_start3A_163 = arith.constant 0 : i32
      %dma_start3A_164 = tpu.memref_slice %arg3[%squeeze3A_158, %dma_start3A_163] : memref<1000000x32xf32, #tpu.memory_space<hbm>> -> memref<1x32xf32, #tpu.memory_space<hbm>>
      %dma_start3A_165 = arith.constant 0 : i32
      %dma_start3A_166 = tpu.memref_slice %arg10[%add3A_160, %dma_start3A_165] : memref<256x32xf32, #tpu.memory_space<vmem>> -> memref<1x32xf32, #tpu.memory_space<vmem>>
      %dma_start3A_167 = arith.constant 0 : i32
      %dma_start3A_168 = tpu.memref_slice %arg3[%squeeze3A_158, %dma_start3A_167] : memref<1000000x32xf32, #tpu.memory_space<hbm>> -> memref<1x32xf32, #tpu.memory_space<hbm>>
      tpu.enqueue_dma source(%dma_start3A_168 : memref<1x32xf32, #tpu.memory_space<hbm>>) target(%dma_start3A_166 : memref<1x32xf32, #tpu.memory_space<vmem>>) target_semaphore(%arg12 : memref<!tpu.dma_semaphore, #tpu.memory_space<semaphore_mem>>)
      %slice3A_169 = vector.extract_strided_slice %get3A_63 {offsets = [9], sizes = [1], strides = [1]} : vector<16xi32> to vector<1xi32>
      %squeeze3A_170 = vector.extract %slice3A_169[0] : i32 from vector<1xi32>
      %add3A_171 = arith.constant 9 : i32
      %add3A_172 = arith.addi %mul3A_59, %add3A_171 : i32
      %dma_start3A_173 = arith.constant 0 : i32
      %dma_start3A_174 = tpu.memref_slice %arg10[%add3A_172, %dma_start3A_173] : memref<256x32xf32, #tpu.memory_space<vmem>> -> memref<1x32xf32, #tpu.memory_space<vmem>>
      %dma_start3A_175 = arith.constant 0 : i32
      %dma_start3A_176 = tpu.memref_slice %arg3[%squeeze3A_170, %dma_start3A_175] : memref<1000000x32xf32, #tpu.memory_space<hbm>> -> memref<1x32xf32, #tpu.memory_space<hbm>>
      %dma_start3A_177 = arith.constant 0 : i32
      %dma_start3A_178 = tpu.memref_slice %arg10[%add3A_172, %dma_start3A_177] : memref<256x32xf32, #tpu.memory_space<vmem>> -> memref<1x32xf32, #tpu.memory_space<vmem>>
      %dma_start3A_179 = arith.constant 0 : i32
      %dma_start3A_180 = tpu.memref_slice %arg3[%squeeze3A_170, %dma_start3A_179] : memref<1000000x32xf32, #tpu.memory_space<hbm>> -> memref<1x32xf32, #tpu.memory_space<hbm>>
      tpu.enqueue_dma source(%dma_start3A_180 : memref<1x32xf32, #tpu.memory_space<hbm>>) target(%dma_start3A_178 : memref<1x32xf32, #tpu.memory_space<vmem>>) target_semaphore(%arg12 : memref<!tpu.dma_semaphore, #tpu.memory_space<semaphore_mem>>)
      %slice3A_181 = vector.extract_strided_slice %get3A_63 {offsets = [10], sizes = [1], strides = [1]} : vector<16xi32> to vector<1xi32>
      %squeeze3A_182 = vector.extract %slice3A_181[0] : i32 from vector<1xi32>
      %add3A_183 = arith.constant 10 : i32
      %add3A_184 = arith.addi %mul3A_59, %add3A_183 : i32
      %dma_start3A_185 = arith.constant 0 : i32
      %dma_start3A_186 = tpu.memref_slice %arg10[%add3A_184, %dma_start3A_185] : memref<256x32xf32, #tpu.memory_space<vmem>> -> memref<1x32xf32, #tpu.memory_space<vmem>>
      %dma_start3A_187 = arith.constant 0 : i32
      %dma_start3A_188 = tpu.memref_slice %arg3[%squeeze3A_182, %dma_start3A_187] : memref<1000000x32xf32, #tpu.memory_space<hbm>> -> memref<1x32xf32, #tpu.memory_space<hbm>>
      %dma_start3A_189 = arith.constant 0 : i32
      %dma_start3A_190 = tpu.memref_slice %arg10[%add3A_184, %dma_start3A_189] : memref<256x32xf32, #tpu.memory_space<vmem>> -> memref<1x32xf32, #tpu.memory_space<vmem>>
      %dma_start3A_191 = arith.constant 0 : i32
      %dma_start3A_192 = tpu.memref_slice %arg3[%squeeze3A_182, %dma_start3A_191] : memref<1000000x32xf32, #tpu.memory_space<hbm>> -> memref<1x32xf32, #tpu.memory_space<hbm>>
      tpu.enqueue_dma source(%dma_start3A_192 : memref<1x32xf32, #tpu.memory_space<hbm>>) target(%dma_start3A_190 : memref<1x32xf32, #tpu.memory_space<vmem>>) target_semaphore(%arg12 : memref<!tpu.dma_semaphore, #tpu.memory_space<semaphore_mem>>)
      %slice3A_193 = vector.extract_strided_slice %get3A_63 {offsets = [11], sizes = [1], strides = [1]} : vector<16xi32> to vector<1xi32>
      %squeeze3A_194 = vector.extract %slice3A_193[0] : i32 from vector<1xi32>
      %add3A_195 = arith.constant 11 : i32
      %add3A_196 = arith.addi %mul3A_59, %add3A_195 : i32
      %dma_start3A_197 = arith.constant 0 : i32
      %dma_start3A_198 = tpu.memref_slice %arg10[%add3A_196, %dma_start3A_197] : memref<256x32xf32, #tpu.memory_space<vmem>> -> memref<1x32xf32, #tpu.memory_space<vmem>>
      %dma_start3A_199 = arith.constant 0 : i32
      %dma_start3A_200 = tpu.memref_slice %arg3[%squeeze3A_194, %dma_start3A_199] : memref<1000000x32xf32, #tpu.memory_space<hbm>> -> memref<1x32xf32, #tpu.memory_space<hbm>>
      %dma_start3A_201 = arith.constant 0 : i32
      %dma_start3A_202 = tpu.memref_slice %arg10[%add3A_196, %dma_start3A_201] : memref<256x32xf32, #tpu.memory_space<vmem>> -> memref<1x32xf32, #tpu.memory_space<vmem>>
      %dma_start3A_203 = arith.constant 0 : i32
      %dma_start3A_204 = tpu.memref_slice %arg3[%squeeze3A_194, %dma_start3A_203] : memref<1000000x32xf32, #tpu.memory_space<hbm>> -> memref<1x32xf32, #tpu.memory_space<hbm>>
      tpu.enqueue_dma source(%dma_start3A_204 : memref<1x32xf32, #tpu.memory_space<hbm>>) target(%dma_start3A_202 : memref<1x32xf32, #tpu.memory_space<vmem>>) target_semaphore(%arg12 : memref<!tpu.dma_semaphore, #tpu.memory_space<semaphore_mem>>)
      %slice3A_205 = vector.extract_strided_slice %get3A_63 {offsets = [12], sizes = [1], strides = [1]} : vector<16xi32> to vector<1xi32>
      %squeeze3A_206 = vector.extract %slice3A_205[0] : i32 from vector<1xi32>
      %add3A_207 = arith.constant 12 : i32
      %add3A_208 = arith.addi %mul3A_59, %add3A_207 : i32
      %dma_start3A_209 = arith.constant 0 : i32
      %dma_start3A_210 = tpu.memref_slice %arg10[%add3A_208, %dma_start3A_209] : memref<256x32xf32, #tpu.memory_space<vmem>> -> memref<1x32xf32, #tpu.memory_space<vmem>>
      %dma_start3A_211 = arith.constant 0 : i32
      %dma_start3A_212 = tpu.memref_slice %arg3[%squeeze3A_206, %dma_start3A_211] : memref<1000000x32xf32, #tpu.memory_space<hbm>> -> memref<1x32xf32, #tpu.memory_space<hbm>>
      %dma_start3A_213 = arith.constant 0 : i32
      %dma_start3A_214 = tpu.memref_slice %arg10[%add3A_208, %dma_start3A_213] : memref<256x32xf32, #tpu.memory_space<vmem>> -> memref<1x32xf32, #tpu.memory_space<vmem>>
      %dma_start3A_215 = arith.constant 0 : i32
      %dma_start3A_216 = tpu.memref_slice %arg3[%squeeze3A_206, %dma_start3A_215] : memref<1000000x32xf32, #tpu.memory_space<hbm>> -> memref<1x32xf32, #tpu.memory_space<hbm>>
      tpu.enqueue_dma source(%dma_start3A_216 : memref<1x32xf32, #tpu.memory_space<hbm>>) target(%dma_start3A_214 : memref<1x32xf32, #tpu.memory_space<vmem>>) target_semaphore(%arg12 : memref<!tpu.dma_semaphore, #tpu.memory_space<semaphore_mem>>)
      %slice3A_217 = vector.extract_strided_slice %get3A_63 {offsets = [13], sizes = [1], strides = [1]} : vector<16xi32> to vector<1xi32>
      %squeeze3A_218 = vector.extract %slice3A_217[0] : i32 from vector<1xi32>
      %add3A_219 = arith.constant 13 : i32
      %add3A_220 = arith.addi %mul3A_59, %add3A_219 : i32
      %dma_start3A_221 = arith.constant 0 : i32
      %dma_start3A_222 = tpu.memref_slice %arg10[%add3A_220, %dma_start3A_221] : memref<256x32xf32, #tpu.memory_space<vmem>> -> memref<1x32xf32, #tpu.memory_space<vmem>>
      %dma_start3A_223 = arith.constant 0 : i32
      %dma_start3A_224 = tpu.memref_slice %arg3[%squeeze3A_218, %dma_start3A_223] : memref<1000000x32xf32, #tpu.memory_space<hbm>> -> memref<1x32xf32, #tpu.memory_space<hbm>>
      %dma_start3A_225 = arith.constant 0 : i32
      %dma_start3A_226 = tpu.memref_slice %arg10[%add3A_220, %dma_start3A_225] : memref<256x32xf32, #tpu.memory_space<vmem>> -> memref<1x32xf32, #tpu.memory_space<vmem>>
      %dma_start3A_227 = arith.constant 0 : i32
      %dma_start3A_228 = tpu.memref_slice %arg3[%squeeze3A_218, %dma_start3A_227] : memref<1000000x32xf32, #tpu.memory_space<hbm>> -> memref<1x32xf32, #tpu.memory_space<hbm>>
      tpu.enqueue_dma source(%dma_start3A_228 : memref<1x32xf32, #tpu.memory_space<hbm>>) target(%dma_start3A_226 : memref<1x32xf32, #tpu.memory_space<vmem>>) target_semaphore(%arg12 : memref<!tpu.dma_semaphore, #tpu.memory_space<semaphore_mem>>)
      %slice3A_229 = vector.extract_strided_slice %get3A_63 {offsets = [14], sizes = [1], strides = [1]} : vector<16xi32> to vector<1xi32>
      %squeeze3A_230 = vector.extract %slice3A_229[0] : i32 from vector<1xi32>
      %add3A_231 = arith.constant 14 : i32
      %add3A_232 = arith.addi %mul3A_59, %add3A_231 : i32
      %dma_start3A_233 = arith.constant 0 : i32
      %dma_start3A_234 = tpu.memref_slice %arg10[%add3A_232, %dma_start3A_233] : memref<256x32xf32, #tpu.memory_space<vmem>> -> memref<1x32xf32, #tpu.memory_space<vmem>>
      %dma_start3A_235 = arith.constant 0 : i32
      %dma_start3A_236 = tpu.memref_slice %arg3[%squeeze3A_230, %dma_start3A_235] : memref<1000000x32xf32, #tpu.memory_space<hbm>> -> memref<1x32xf32, #tpu.memory_space<hbm>>
      %dma_start3A_237 = arith.constant 0 : i32
      %dma_start3A_238 = tpu.memref_slice %arg10[%add3A_232, %dma_start3A_237] : memref<256x32xf32, #tpu.memory_space<vmem>> -> memref<1x32xf32, #tpu.memory_space<vmem>>
      %dma_start3A_239 = arith.constant 0 : i32
      %dma_start3A_240 = tpu.memref_slice %arg3[%squeeze3A_230, %dma_start3A_239] : memref<1000000x32xf32, #tpu.memory_space<hbm>> -> memref<1x32xf32, #tpu.memory_space<hbm>>
      tpu.enqueue_dma source(%dma_start3A_240 : memref<1x32xf32, #tpu.memory_space<hbm>>) target(%dma_start3A_238 : memref<1x32xf32, #tpu.memory_space<vmem>>) target_semaphore(%arg12 : memref<!tpu.dma_semaphore, #tpu.memory_space<semaphore_mem>>)
      %slice3A_241 = vector.extract_strided_slice %get3A_63 {offsets = [15], sizes = [1], strides = [1]} : vector<16xi32> to vector<1xi32>
      %squeeze3A_242 = vector.extract %slice3A_241[0] : i32 from vector<1xi32>
      %add3A_243 = arith.constant 15 : i32
      %add3A_244 = arith.addi %mul3A_59, %add3A_243 : i32
      %dma_start3A_245 = arith.constant 0 : i32
      %dma_start3A_246 = tpu.memref_slice %arg10[%add3A_244, %dma_start3A_245] : memref<256x32xf32, #tpu.memory_space<vmem>> -> memref<1x32xf32, #tpu.memory_space<vmem>>
      %dma_start3A_247 = arith.constant 0 : i32
      %dma_start3A_248 = tpu.memref_slice %arg3[%squeeze3A_242, %dma_start3A_247] : memref<1000000x32xf32, #tpu.memory_space<hbm>> -> memref<1x32xf32, #tpu.memory_space<hbm>>
      %dma_start3A_249 = arith.constant 0 : i32
      %dma_start3A_250 = tpu.memref_slice %arg10[%add3A_244, %dma_start3A_249] : memref<256x32xf32, #tpu.memory_space<vmem>> -> memref<1x32xf32, #tpu.memory_space<vmem>>
      %dma_start3A_251 = arith.constant 0 : i32
      %dma_start3A_252 = tpu.memref_slice %arg3[%squeeze3A_242, %dma_start3A_251] : memref<1000000x32xf32, #tpu.memory_space<hbm>> -> memref<1x32xf32, #tpu.memory_space<hbm>>
      tpu.enqueue_dma source(%dma_start3A_252 : memref<1x32xf32, #tpu.memory_space<hbm>>) target(%dma_start3A_250 : memref<1x32xf32, #tpu.memory_space<vmem>>) target_semaphore(%arg12 : memref<!tpu.dma_semaphore, #tpu.memory_space<semaphore_mem>>)
    }
    %scan3A_34 = arith.constant 16 : i32
    %dma_wait3A_35 = arith.constant 0 : i32
    %dma_wait3A_36 = arith.constant 0 : i32
    %dma_wait3A_37 = tpu.memref_slice %arg3[%dma_wait3A_35, %dma_wait3A_36] : memref<1000000x32xf32, #tpu.memory_space<hbm>> -> memref<256x32xf32, #tpu.memory_space<hbm>>
    %dma_wait3A_38 = arith.constant 0 : i32
    %dma_wait3A_39 = arith.constant 0 : i32
    %dma_wait3A_40 = tpu.memref_slice %arg3[%dma_wait3A_38, %dma_wait3A_39] : memref<1000000x32xf32, #tpu.memory_space<hbm>> -> memref<256x32xf32, #tpu.memory_space<hbm>>
    tpu.wait_dma2 semaphore(%arg12 : memref<!tpu.dma_semaphore, #tpu.memory_space<semaphore_mem>>) src(%dma_wait3A_40 : memref<256x32xf32, #tpu.memory_space<hbm>>) dst(%arg10 : memref<256x32xf32, #tpu.memory_space<vmem>>)
    %add3A_41 = arith.constant 0 : i32
    %add3A_42 = arith.addi %mul3A_2, %add3A_41 : i32
    "tpu.region"() ({
      %run_scoped3A = tpu.sem_alloc : memref<!tpu.dma_semaphore, #tpu.memory_space<semaphore_mem>>
      %dma_start3A = arith.constant 0 : i32
      %dma_start3A_57 = tpu.memref_slice %arg7[%add3A_42, %dma_start3A] : memref<16384x32xf32, #tpu.memory_space<hbm>> -> memref<256x32xf32, #tpu.memory_space<hbm>>
      %dma_start3A_58 = arith.constant 0 : i32
      %dma_start3A_59 = tpu.memref_slice %arg7[%add3A_42, %dma_start3A_58] : memref<16384x32xf32, #tpu.memory_space<hbm>> -> memref<256x32xf32, #tpu.memory_space<hbm>>
      tpu.enqueue_dma source(%arg10 : memref<256x32xf32, #tpu.memory_space<vmem>>) target(%dma_start3A_59 : memref<256x32xf32, #tpu.memory_space<hbm>>) target_semaphore(%run_scoped3A : memref<!tpu.dma_semaphore, #tpu.memory_space<semaphore_mem>>)
      %dma_wait3A_60 = arith.constant 0 : i32
      %dma_wait3A_61 = tpu.memref_slice %arg7[%add3A_42, %dma_wait3A_60] : memref<16384x32xf32, #tpu.memory_space<hbm>> -> memref<256x32xf32, #tpu.memory_space<hbm>>
      %dma_wait3A_62 = arith.constant 0 : i32
      %dma_wait3A_63 = tpu.memref_slice %arg7[%add3A_42, %dma_wait3A_62] : memref<16384x32xf32, #tpu.memory_space<hbm>> -> memref<256x32xf32, #tpu.memory_space<hbm>>
      tpu.wait_dma2 semaphore(%run_scoped3A : memref<!tpu.dma_semaphore, #tpu.memory_space<semaphore_mem>>) src(%arg10 : memref<256x32xf32, #tpu.memory_space<vmem>>) dst(%dma_wait3A_63 : memref<256x32xf32, #tpu.memory_space<hbm>>)
      tpu.yield
    }) : () -> ()
    %scan3A_43 = arith.constant 0 : i32
    %scan3A_44 = arith.constant 0 : i32
    %scan3A_45 = arith.constant 16 : i32
    %scan3A_46 = arith.addi %scan3A_44, %scan3A_45 : i32
    %scan3A_47 = arith.constant 1 : i32
    scf.for %scan3A_57 = %scan3A_44 to %scan3A_46 step %scan3A_47  : i32 {
      %mul3A_58 = arith.constant 16 : i32
      %mul3A_59 = arith.muli %scan3A_57, %mul3A_58 : i32
      %add3A_60 = arith.constant 256 : i32
      %add3A_61 = arith.addi %add3A_60, %mul3A_59 : i32
      %get3A = arith.index_cast %add3A_61 : i32 to index
      %get3A_62 = tpu.vector_load %arg9[%get3A] {strides = array<i32>} : memref<512xi32, #tpu.memory_space<vmem>>, vector<16xi32>,
      %get3A_63 = vector.shape_cast %get3A_62 : vector<16xi32> to vector<16xi32>
      %slice3A = vector.extract_strided_slice %get3A_63 {offsets = [0], sizes = [1], strides = [1]} : vector<16xi32> to vector<1xi32>
      %squeeze3A = vector.extract %slice3A[0] : i32 from vector<1xi32>
      %add3A_64 = arith.constant 0 : i32
      %add3A_65 = arith.addi %mul3A_59, %add3A_64 : i32
      %dma_start3A = arith.constant 0 : i32
      %dma_start3A_66 = tpu.memref_slice %arg11[%add3A_65, %dma_start3A] : memref<256x32xf32, #tpu.memory_space<vmem>> -> memref<1x32xf32, #tpu.memory_space<vmem>>
      %dma_start3A_67 = arith.constant 0 : i32
      %dma_start3A_68 = tpu.memref_slice %arg3[%squeeze3A, %dma_start3A_67] : memref<1000000x32xf32, #tpu.memory_space<hbm>> -> memref<1x32xf32, #tpu.memory_space<hbm>>
      %dma_start3A_69 = arith.constant 0 : i32
      %dma_start3A_70 = tpu.memref_slice %arg11[%add3A_65, %dma_start3A_69] : memref<256x32xf32, #tpu.memory_space<vmem>> -> memref<1x32xf32, #tpu.memory_space<vmem>>
      %dma_start3A_71 = arith.constant 0 : i32
      %dma_start3A_72 = tpu.memref_slice %arg3[%squeeze3A, %dma_start3A_71] : memref<1000000x32xf32, #tpu.memory_space<hbm>> -> memref<1x32xf32, #tpu.memory_space<hbm>>
      tpu.enqueue_dma source(%dma_start3A_72 : memref<1x32xf32, #tpu.memory_space<hbm>>) target(%dma_start3A_70 : memref<1x32xf32, #tpu.memory_space<vmem>>) target_semaphore(%arg13 : memref<!tpu.dma_semaphore, #tpu.memory_space<semaphore_mem>>)
      %slice3A_73 = vector.extract_strided_slice %get3A_63 {offsets = [1], sizes = [1], strides = [1]} : vector<16xi32> to vector<1xi32>
      %squeeze3A_74 = vector.extract %slice3A_73[0] : i32 from vector<1xi32>
      %add3A_75 = arith.constant 1 : i32
      %add3A_76 = arith.addi %mul3A_59, %add3A_75 : i32
      %dma_start3A_77 = arith.constant 0 : i32
      %dma_start3A_78 = tpu.memref_slice %arg11[%add3A_76, %dma_start3A_77] : memref<256x32xf32, #tpu.memory_space<vmem>> -> memref<1x32xf32, #tpu.memory_space<vmem>>
      %dma_start3A_79 = arith.constant 0 : i32
      %dma_start3A_80 = tpu.memref_slice %arg3[%squeeze3A_74, %dma_start3A_79] : memref<1000000x32xf32, #tpu.memory_space<hbm>> -> memref<1x32xf32, #tpu.memory_space<hbm>>
      %dma_start3A_81 = arith.constant 0 : i32
      %dma_start3A_82 = tpu.memref_slice %arg11[%add3A_76, %dma_start3A_81] : memref<256x32xf32, #tpu.memory_space<vmem>> -> memref<1x32xf32, #tpu.memory_space<vmem>>
      %dma_start3A_83 = arith.constant 0 : i32
      %dma_start3A_84 = tpu.memref_slice %arg3[%squeeze3A_74, %dma_start3A_83] : memref<1000000x32xf32, #tpu.memory_space<hbm>> -> memref<1x32xf32, #tpu.memory_space<hbm>>
      tpu.enqueue_dma source(%dma_start3A_84 : memref<1x32xf32, #tpu.memory_space<hbm>>) target(%dma_start3A_82 : memref<1x32xf32, #tpu.memory_space<vmem>>) target_semaphore(%arg13 : memref<!tpu.dma_semaphore, #tpu.memory_space<semaphore_mem>>)
      %slice3A_85 = vector.extract_strided_slice %get3A_63 {offsets = [2], sizes = [1], strides = [1]} : vector<16xi32> to vector<1xi32>
      %squeeze3A_86 = vector.extract %slice3A_85[0] : i32 from vector<1xi32>
      %add3A_87 = arith.constant 2 : i32
      %add3A_88 = arith.addi %mul3A_59, %add3A_87 : i32
      %dma_start3A_89 = arith.constant 0 : i32
      %dma_start3A_90 = tpu.memref_slice %arg11[%add3A_88, %dma_start3A_89] : memref<256x32xf32, #tpu.memory_space<vmem>> -> memref<1x32xf32, #tpu.memory_space<vmem>>
      %dma_start3A_91 = arith.constant 0 : i32
      %dma_start3A_92 = tpu.memref_slice %arg3[%squeeze3A_86, %dma_start3A_91] : memref<1000000x32xf32, #tpu.memory_space<hbm>> -> memref<1x32xf32, #tpu.memory_space<hbm>>
      %dma_start3A_93 = arith.constant 0 : i32
      %dma_start3A_94 = tpu.memref_slice %arg11[%add3A_88, %dma_start3A_93] : memref<256x32xf32, #tpu.memory_space<vmem>> -> memref<1x32xf32, #tpu.memory_space<vmem>>
      %dma_start3A_95 = arith.constant 0 : i32
      %dma_start3A_96 = tpu.memref_slice %arg3[%squeeze3A_86, %dma_start3A_95] : memref<1000000x32xf32, #tpu.memory_space<hbm>> -> memref<1x32xf32, #tpu.memory_space<hbm>>
      tpu.enqueue_dma source(%dma_start3A_96 : memref<1x32xf32, #tpu.memory_space<hbm>>) target(%dma_start3A_94 : memref<1x32xf32, #tpu.memory_space<vmem>>) target_semaphore(%arg13 : memref<!tpu.dma_semaphore, #tpu.memory_space<semaphore_mem>>)
      %slice3A_97 = vector.extract_strided_slice %get3A_63 {offsets = [3], sizes = [1], strides = [1]} : vector<16xi32> to vector<1xi32>
      %squeeze3A_98 = vector.extract %slice3A_97[0] : i32 from vector<1xi32>
      %add3A_99 = arith.constant 3 : i32
      %add3A_100 = arith.addi %mul3A_59, %add3A_99 : i32
      %dma_start3A_101 = arith.constant 0 : i32
      %dma_start3A_102 = tpu.memref_slice %arg11[%add3A_100, %dma_start3A_101] : memref<256x32xf32, #tpu.memory_space<vmem>> -> memref<1x32xf32, #tpu.memory_space<vmem>>
      %dma_start3A_103 = arith.constant 0 : i32
      %dma_start3A_104 = tpu.memref_slice %arg3[%squeeze3A_98, %dma_start3A_103] : memref<1000000x32xf32, #tpu.memory_space<hbm>> -> memref<1x32xf32, #tpu.memory_space<hbm>>
      %dma_start3A_105 = arith.constant 0 : i32
      %dma_start3A_106 = tpu.memref_slice %arg11[%add3A_100, %dma_start3A_105] : memref<256x32xf32, #tpu.memory_space<vmem>> -> memref<1x32xf32, #tpu.memory_space<vmem>>
      %dma_start3A_107 = arith.constant 0 : i32
      %dma_start3A_108 = tpu.memref_slice %arg3[%squeeze3A_98, %dma_start3A_107] : memref<1000000x32xf32, #tpu.memory_space<hbm>> -> memref<1x32xf32, #tpu.memory_space<hbm>>
      tpu.enqueue_dma source(%dma_start3A_108 : memref<1x32xf32, #tpu.memory_space<hbm>>) target(%dma_start3A_106 : memref<1x32xf32, #tpu.memory_space<vmem>>) target_semaphore(%arg13 : memref<!tpu.dma_semaphore, #tpu.memory_space<semaphore_mem>>)
      %slice3A_109 = vector.extract_strided_slice %get3A_63 {offsets = [4], sizes = [1], strides = [1]} : vector<16xi32> to vector<1xi32>
      %squeeze3A_110 = vector.extract %slice3A_109[0] : i32 from vector<1xi32>
      %add3A_111 = arith.constant 4 : i32
      %add3A_112 = arith.addi %mul3A_59, %add3A_111 : i32
      %dma_start3A_113 = arith.constant 0 : i32
      %dma_start3A_114 = tpu.memref_slice %arg11[%add3A_112, %dma_start3A_113] : memref<256x32xf32, #tpu.memory_space<vmem>> -> memref<1x32xf32, #tpu.memory_space<vmem>>
      %dma_start3A_115 = arith.constant 0 : i32
      %dma_start3A_116 = tpu.memref_slice %arg3[%squeeze3A_110, %dma_start3A_115] : memref<1000000x32xf32, #tpu.memory_space<hbm>> -> memref<1x32xf32, #tpu.memory_space<hbm>>
      %dma_start3A_117 = arith.constant 0 : i32
      %dma_start3A_118 = tpu.memref_slice %arg11[%add3A_112, %dma_start3A_117] : memref<256x32xf32, #tpu.memory_space<vmem>> -> memref<1x32xf32, #tpu.memory_space<vmem>>
      %dma_start3A_119 = arith.constant 0 : i32
      %dma_start3A_120 = tpu.memref_slice %arg3[%squeeze3A_110, %dma_start3A_119] : memref<1000000x32xf32, #tpu.memory_space<hbm>> -> memref<1x32xf32, #tpu.memory_space<hbm>>
      tpu.enqueue_dma source(%dma_start3A_120 : memref<1x32xf32, #tpu.memory_space<hbm>>) target(%dma_start3A_118 : memref<1x32xf32, #tpu.memory_space<vmem>>) target_semaphore(%arg13 : memref<!tpu.dma_semaphore, #tpu.memory_space<semaphore_mem>>)
      %slice3A_121 = vector.extract_strided_slice %get3A_63 {offsets = [5], sizes = [1], strides = [1]} : vector<16xi32> to vector<1xi32>
      %squeeze3A_122 = vector.extract %slice3A_121[0] : i32 from vector<1xi32>
      %add3A_123 = arith.constant 5 : i32
      %add3A_124 = arith.addi %mul3A_59, %add3A_123 : i32
      %dma_start3A_125 = arith.constant 0 : i32
      %dma_start3A_126 = tpu.memref_slice %arg11[%add3A_124, %dma_start3A_125] : memref<256x32xf32, #tpu.memory_space<vmem>> -> memref<1x32xf32, #tpu.memory_space<vmem>>
      %dma_start3A_127 = arith.constant 0 : i32
      %dma_start3A_128 = tpu.memref_slice %arg3[%squeeze3A_122, %dma_start3A_127] : memref<1000000x32xf32, #tpu.memory_space<hbm>> -> memref<1x32xf32, #tpu.memory_space<hbm>>
      %dma_start3A_129 = arith.constant 0 : i32
      %dma_start3A_130 = tpu.memref_slice %arg11[%add3A_124, %dma_start3A_129] : memref<256x32xf32, #tpu.memory_space<vmem>> -> memref<1x32xf32, #tpu.memory_space<vmem>>
      %dma_start3A_131 = arith.constant 0 : i32
      %dma_start3A_132 = tpu.memref_slice %arg3[%squeeze3A_122, %dma_start3A_131] : memref<1000000x32xf32, #tpu.memory_space<hbm>> -> memref<1x32xf32, #tpu.memory_space<hbm>>
      tpu.enqueue_dma source(%dma_start3A_132 : memref<1x32xf32, #tpu.memory_space<hbm>>) target(%dma_start3A_130 : memref<1x32xf32, #tpu.memory_space<vmem>>) target_semaphore(%arg13 : memref<!tpu.dma_semaphore, #tpu.memory_space<semaphore_mem>>)
      %slice3A_133 = vector.extract_strided_slice %get3A_63 {offsets = [6], sizes = [1], strides = [1]} : vector<16xi32> to vector<1xi32>
      %squeeze3A_134 = vector.extract %slice3A_133[0] : i32 from vector<1xi32>
      %add3A_135 = arith.constant 6 : i32
      %add3A_136 = arith.addi %mul3A_59, %add3A_135 : i32
      %dma_start3A_137 = arith.constant 0 : i32
      %dma_start3A_138 = tpu.memref_slice %arg11[%add3A_136, %dma_start3A_137] : memref<256x32xf32, #tpu.memory_space<vmem>> -> memref<1x32xf32, #tpu.memory_space<vmem>>
      %dma_start3A_139 = arith.constant 0 : i32
      %dma_start3A_140 = tpu.memref_slice %arg3[%squeeze3A_134, %dma_start3A_139] : memref<1000000x32xf32, #tpu.memory_space<hbm>> -> memref<1x32xf32, #tpu.memory_space<hbm>>
      %dma_start3A_141 = arith.constant 0 : i32
      %dma_start3A_142 = tpu.memref_slice %arg11[%add3A_136, %dma_start3A_141] : memref<256x32xf32, #tpu.memory_space<vmem>> -> memref<1x32xf32, #tpu.memory_space<vmem>>
      %dma_start3A_143 = arith.constant 0 : i32
      %dma_start3A_144 = tpu.memref_slice %arg3[%squeeze3A_134, %dma_start3A_143] : memref<1000000x32xf32, #tpu.memory_space<hbm>> -> memref<1x32xf32, #tpu.memory_space<hbm>>
      tpu.enqueue_dma source(%dma_start3A_144 : memref<1x32xf32, #tpu.memory_space<hbm>>) target(%dma_start3A_142 : memref<1x32xf32, #tpu.memory_space<vmem>>) target_semaphore(%arg13 : memref<!tpu.dma_semaphore, #tpu.memory_space<semaphore_mem>>)
      %slice3A_145 = vector.extract_strided_slice %get3A_63 {offsets = [7], sizes = [1], strides = [1]} : vector<16xi32> to vector<1xi32>
      %squeeze3A_146 = vector.extract %slice3A_145[0] : i32 from vector<1xi32>
      %add3A_147 = arith.constant 7 : i32
      %add3A_148 = arith.addi %mul3A_59, %add3A_147 : i32
      %dma_start3A_149 = arith.constant 0 : i32
      %dma_start3A_150 = tpu.memref_slice %arg11[%add3A_148, %dma_start3A_149] : memref<256x32xf32, #tpu.memory_space<vmem>> -> memref<1x32xf32, #tpu.memory_space<vmem>>
      %dma_start3A_151 = arith.constant 0 : i32
      %dma_start3A_152 = tpu.memref_slice %arg3[%squeeze3A_146, %dma_start3A_151] : memref<1000000x32xf32, #tpu.memory_space<hbm>> -> memref<1x32xf32, #tpu.memory_space<hbm>>
      %dma_start3A_153 = arith.constant 0 : i32
      %dma_start3A_154 = tpu.memref_slice %arg11[%add3A_148, %dma_start3A_153] : memref<256x32xf32, #tpu.memory_space<vmem>> -> memref<1x32xf32, #tpu.memory_space<vmem>>
      %dma_start3A_155 = arith.constant 0 : i32
      %dma_start3A_156 = tpu.memref_slice %arg3[%squeeze3A_146, %dma_start3A_155] : memref<1000000x32xf32, #tpu.memory_space<hbm>> -> memref<1x32xf32, #tpu.memory_space<hbm>>
      tpu.enqueue_dma source(%dma_start3A_156 : memref<1x32xf32, #tpu.memory_space<hbm>>) target(%dma_start3A_154 : memref<1x32xf32, #tpu.memory_space<vmem>>) target_semaphore(%arg13 : memref<!tpu.dma_semaphore, #tpu.memory_space<semaphore_mem>>)
      %slice3A_157 = vector.extract_strided_slice %get3A_63 {offsets = [8], sizes = [1], strides = [1]} : vector<16xi32> to vector<1xi32>
      %squeeze3A_158 = vector.extract %slice3A_157[0] : i32 from vector<1xi32>
      %add3A_159 = arith.constant 8 : i32
      %add3A_160 = arith.addi %mul3A_59, %add3A_159 : i32
      %dma_start3A_161 = arith.constant 0 : i32
      %dma_start3A_162 = tpu.memref_slice %arg11[%add3A_160, %dma_start3A_161] : memref<256x32xf32, #tpu.memory_space<vmem>> -> memref<1x32xf32, #tpu.memory_space<vmem>>
      %dma_start3A_163 = arith.constant 0 : i32
      %dma_start3A_164 = tpu.memref_slice %arg3[%squeeze3A_158, %dma_start3A_163] : memref<1000000x32xf32, #tpu.memory_space<hbm>> -> memref<1x32xf32, #tpu.memory_space<hbm>>
      %dma_start3A_165 = arith.constant 0 : i32
      %dma_start3A_166 = tpu.memref_slice %arg11[%add3A_160, %dma_start3A_165] : memref<256x32xf32, #tpu.memory_space<vmem>> -> memref<1x32xf32, #tpu.memory_space<vmem>>
      %dma_start3A_167 = arith.constant 0 : i32
      %dma_start3A_168 = tpu.memref_slice %arg3[%squeeze3A_158, %dma_start3A_167] : memref<1000000x32xf32, #tpu.memory_space<hbm>> -> memref<1x32xf32, #tpu.memory_space<hbm>>
      tpu.enqueue_dma source(%dma_start3A_168 : memref<1x32xf32, #tpu.memory_space<hbm>>) target(%dma_start3A_166 : memref<1x32xf32, #tpu.memory_space<vmem>>) target_semaphore(%arg13 : memref<!tpu.dma_semaphore, #tpu.memory_space<semaphore_mem>>)
      %slice3A_169 = vector.extract_strided_slice %get3A_63 {offsets = [9], sizes = [1], strides = [1]} : vector<16xi32> to vector<1xi32>
      %squeeze3A_170 = vector.extract %slice3A_169[0] : i32 from vector<1xi32>
      %add3A_171 = arith.constant 9 : i32
      %add3A_172 = arith.addi %mul3A_59, %add3A_171 : i32
      %dma_start3A_173 = arith.constant 0 : i32
      %dma_start3A_174 = tpu.memref_slice %arg11[%add3A_172, %dma_start3A_173] : memref<256x32xf32, #tpu.memory_space<vmem>> -> memref<1x32xf32, #tpu.memory_space<vmem>>
      %dma_start3A_175 = arith.constant 0 : i32
      %dma_start3A_176 = tpu.memref_slice %arg3[%squeeze3A_170, %dma_start3A_175] : memref<1000000x32xf32, #tpu.memory_space<hbm>> -> memref<1x32xf32, #tpu.memory_space<hbm>>
      %dma_start3A_177 = arith.constant 0 : i32
      %dma_start3A_178 = tpu.memref_slice %arg11[%add3A_172, %dma_start3A_177] : memref<256x32xf32, #tpu.memory_space<vmem>> -> memref<1x32xf32, #tpu.memory_space<vmem>>
      %dma_start3A_179 = arith.constant 0 : i32
      %dma_start3A_180 = tpu.memref_slice %arg3[%squeeze3A_170, %dma_start3A_179] : memref<1000000x32xf32, #tpu.memory_space<hbm>> -> memref<1x32xf32, #tpu.memory_space<hbm>>
      tpu.enqueue_dma source(%dma_start3A_180 : memref<1x32xf32, #tpu.memory_space<hbm>>) target(%dma_start3A_178 : memref<1x32xf32, #tpu.memory_space<vmem>>) target_semaphore(%arg13 : memref<!tpu.dma_semaphore, #tpu.memory_space<semaphore_mem>>)
      %slice3A_181 = vector.extract_strided_slice %get3A_63 {offsets = [10], sizes = [1], strides = [1]} : vector<16xi32> to vector<1xi32>
      %squeeze3A_182 = vector.extract %slice3A_181[0] : i32 from vector<1xi32>
      %add3A_183 = arith.constant 10 : i32
      %add3A_184 = arith.addi %mul3A_59, %add3A_183 : i32
      %dma_start3A_185 = arith.constant 0 : i32
      %dma_start3A_186 = tpu.memref_slice %arg11[%add3A_184, %dma_start3A_185] : memref<256x32xf32, #tpu.memory_space<vmem>> -> memref<1x32xf32, #tpu.memory_space<vmem>>
      %dma_start3A_187 = arith.constant 0 : i32
      %dma_start3A_188 = tpu.memref_slice %arg3[%squeeze3A_182, %dma_start3A_187] : memref<1000000x32xf32, #tpu.memory_space<hbm>> -> memref<1x32xf32, #tpu.memory_space<hbm>>
      %dma_start3A_189 = arith.constant 0 : i32
      %dma_start3A_190 = tpu.memref_slice %arg11[%add3A_184, %dma_start3A_189] : memref<256x32xf32, #tpu.memory_space<vmem>> -> memref<1x32xf32, #tpu.memory_space<vmem>>
      %dma_start3A_191 = arith.constant 0 : i32
      %dma_start3A_192 = tpu.memref_slice %arg3[%squeeze3A_182, %dma_start3A_191] : memref<1000000x32xf32, #tpu.memory_space<hbm>> -> memref<1x32xf32, #tpu.memory_space<hbm>>
      tpu.enqueue_dma source(%dma_start3A_192 : memref<1x32xf32, #tpu.memory_space<hbm>>) target(%dma_start3A_190 : memref<1x32xf32, #tpu.memory_space<vmem>>) target_semaphore(%arg13 : memref<!tpu.dma_semaphore, #tpu.memory_space<semaphore_mem>>)
      %slice3A_193 = vector.extract_strided_slice %get3A_63 {offsets = [11], sizes = [1], strides = [1]} : vector<16xi32> to vector<1xi32>
      %squeeze3A_194 = vector.extract %slice3A_193[0] : i32 from vector<1xi32>
      %add3A_195 = arith.constant 11 : i32
      %add3A_196 = arith.addi %mul3A_59, %add3A_195 : i32
      %dma_start3A_197 = arith.constant 0 : i32
      %dma_start3A_198 = tpu.memref_slice %arg11[%add3A_196, %dma_start3A_197] : memref<256x32xf32, #tpu.memory_space<vmem>> -> memref<1x32xf32, #tpu.memory_space<vmem>>
      %dma_start3A_199 = arith.constant 0 : i32
      %dma_start3A_200 = tpu.memref_slice %arg3[%squeeze3A_194, %dma_start3A_199] : memref<1000000x32xf32, #tpu.memory_space<hbm>> -> memref<1x32xf32, #tpu.memory_space<hbm>>
      %dma_start3A_201 = arith.constant 0 : i32
      %dma_start3A_202 = tpu.memref_slice %arg11[%add3A_196, %dma_start3A_201] : memref<256x32xf32, #tpu.memory_space<vmem>> -> memref<1x32xf32, #tpu.memory_space<vmem>>
      %dma_start3A_203 = arith.constant 0 : i32
      %dma_start3A_204 = tpu.memref_slice %arg3[%squeeze3A_194, %dma_start3A_203] : memref<1000000x32xf32, #tpu.memory_space<hbm>> -> memref<1x32xf32, #tpu.memory_space<hbm>>
      tpu.enqueue_dma source(%dma_start3A_204 : memref<1x32xf32, #tpu.memory_space<hbm>>) target(%dma_start3A_202 : memref<1x32xf32, #tpu.memory_space<vmem>>) target_semaphore(%arg13 : memref<!tpu.dma_semaphore, #tpu.memory_space<semaphore_mem>>)
      %slice3A_205 = vector.extract_strided_slice %get3A_63 {offsets = [12], sizes = [1], strides = [1]} : vector<16xi32> to vector<1xi32>
      %squeeze3A_206 = vector.extract %slice3A_205[0] : i32 from vector<1xi32>
      %add3A_207 = arith.constant 12 : i32
      %add3A_208 = arith.addi %mul3A_59, %add3A_207 : i32
      %dma_start3A_209 = arith.constant 0 : i32
      %dma_start3A_210 = tpu.memref_slice %arg11[%add3A_208, %dma_start3A_209] : memref<256x32xf32, #tpu.memory_space<vmem>> -> memref<1x32xf32, #tpu.memory_space<vmem>>
      %dma_start3A_211 = arith.constant 0 : i32
      %dma_start3A_212 = tpu.memref_slice %arg3[%squeeze3A_206, %dma_start3A_211] : memref<1000000x32xf32, #tpu.memory_space<hbm>> -> memref<1x32xf32, #tpu.memory_space<hbm>>
      %dma_start3A_213 = arith.constant 0 : i32
      %dma_start3A_214 = tpu.memref_slice %arg11[%add3A_208, %dma_start3A_213] : memref<256x32xf32, #tpu.memory_space<vmem>> -> memref<1x32xf32, #tpu.memory_space<vmem>>
      %dma_start3A_215 = arith.constant 0 : i32
      %dma_start3A_216 = tpu.memref_slice %arg3[%squeeze3A_206, %dma_start3A_215] : memref<1000000x32xf32, #tpu.memory_space<hbm>> -> memref<1x32xf32, #tpu.memory_space<hbm>>
      tpu.enqueue_dma source(%dma_start3A_216 : memref<1x32xf32, #tpu.memory_space<hbm>>) target(%dma_start3A_214 : memref<1x32xf32, #tpu.memory_space<vmem>>) target_semaphore(%arg13 : memref<!tpu.dma_semaphore, #tpu.memory_space<semaphore_mem>>)
      %slice3A_217 = vector.extract_strided_slice %get3A_63 {offsets = [13], sizes = [1], strides = [1]} : vector<16xi32> to vector<1xi32>
      %squeeze3A_218 = vector.extract %slice3A_217[0] : i32 from vector<1xi32>
      %add3A_219 = arith.constant 13 : i32
      %add3A_220 = arith.addi %mul3A_59, %add3A_219 : i32
      %dma_start3A_221 = arith.constant 0 : i32
      %dma_start3A_222 = tpu.memref_slice %arg11[%add3A_220, %dma_start3A_221] : memref<256x32xf32, #tpu.memory_space<vmem>> -> memref<1x32xf32, #tpu.memory_space<vmem>>
      %dma_start3A_223 = arith.constant 0 : i32
      %dma_start3A_224 = tpu.memref_slice %arg3[%squeeze3A_218, %dma_start3A_223] : memref<1000000x32xf32, #tpu.memory_space<hbm>> -> memref<1x32xf32, #tpu.memory_space<hbm>>
      %dma_start3A_225 = arith.constant 0 : i32
      %dma_start3A_226 = tpu.memref_slice %arg11[%add3A_220, %dma_start3A_225] : memref<256x32xf32, #tpu.memory_space<vmem>> -> memref<1x32xf32, #tpu.memory_space<vmem>>
      %dma_start3A_227 = arith.constant 0 : i32
      %dma_start3A_228 = tpu.memref_slice %arg3[%squeeze3A_218, %dma_start3A_227] : memref<1000000x32xf32, #tpu.memory_space<hbm>> -> memref<1x32xf32, #tpu.memory_space<hbm>>
      tpu.enqueue_dma source(%dma_start3A_228 : memref<1x32xf32, #tpu.memory_space<hbm>>) target(%dma_start3A_226 : memref<1x32xf32, #tpu.memory_space<vmem>>) target_semaphore(%arg13 : memref<!tpu.dma_semaphore, #tpu.memory_space<semaphore_mem>>)
      %slice3A_229 = vector.extract_strided_slice %get3A_63 {offsets = [14], sizes = [1], strides = [1]} : vector<16xi32> to vector<1xi32>
      %squeeze3A_230 = vector.extract %slice3A_229[0] : i32 from vector<1xi32>
      %add3A_231 = arith.constant 14 : i32
      %add3A_232 = arith.addi %mul3A_59, %add3A_231 : i32
      %dma_start3A_233 = arith.constant 0 : i32
      %dma_start3A_234 = tpu.memref_slice %arg11[%add3A_232, %dma_start3A_233] : memref<256x32xf32, #tpu.memory_space<vmem>> -> memref<1x32xf32, #tpu.memory_space<vmem>>
      %dma_start3A_235 = arith.constant 0 : i32
      %dma_start3A_236 = tpu.memref_slice %arg3[%squeeze3A_230, %dma_start3A_235] : memref<1000000x32xf32, #tpu.memory_space<hbm>> -> memref<1x32xf32, #tpu.memory_space<hbm>>
      %dma_start3A_237 = arith.constant 0 : i32
      %dma_start3A_238 = tpu.memref_slice %arg11[%add3A_232, %dma_start3A_237] : memref<256x32xf32, #tpu.memory_space<vmem>> -> memref<1x32xf32, #tpu.memory_space<vmem>>
      %dma_start3A_239 = arith.constant 0 : i32
      %dma_start3A_240 = tpu.memref_slice %arg3[%squeeze3A_230, %dma_start3A_239] : memref<1000000x32xf32, #tpu.memory_space<hbm>> -> memref<1x32xf32, #tpu.memory_space<hbm>>
      tpu.enqueue_dma source(%dma_start3A_240 : memref<1x32xf32, #tpu.memory_space<hbm>>) target(%dma_start3A_238 : memref<1x32xf32, #tpu.memory_space<vmem>>) target_semaphore(%arg13 : memref<!tpu.dma_semaphore, #tpu.memory_space<semaphore_mem>>)
      %slice3A_241 = vector.extract_strided_slice %get3A_63 {offsets = [15], sizes = [1], strides = [1]} : vector<16xi32> to vector<1xi32>
      %squeeze3A_242 = vector.extract %slice3A_241[0] : i32 from vector<1xi32>
      %add3A_243 = arith.constant 15 : i32
      %add3A_244 = arith.addi %mul3A_59, %add3A_243 : i32
      %dma_start3A_245 = arith.constant 0 : i32
      %dma_start3A_246 = tpu.memref_slice %arg11[%add3A_244, %dma_start3A_245] : memref<256x32xf32, #tpu.memory_space<vmem>> -> memref<1x32xf32, #tpu.memory_space<vmem>>
      %dma_start3A_247 = arith.constant 0 : i32
      %dma_start3A_248 = tpu.memref_slice %arg3[%squeeze3A_242, %dma_start3A_247] : memref<1000000x32xf32, #tpu.memory_space<hbm>> -> memref<1x32xf32, #tpu.memory_space<hbm>>
      %dma_start3A_249 = arith.constant 0 : i32
      %dma_start3A_250 = tpu.memref_slice %arg11[%add3A_244, %dma_start3A_249] : memref<256x32xf32, #tpu.memory_space<vmem>> -> memref<1x32xf32, #tpu.memory_space<vmem>>
      %dma_start3A_251 = arith.constant 0 : i32
      %dma_start3A_252 = tpu.memref_slice %arg3[%squeeze3A_242, %dma_start3A_251] : memref<1000000x32xf32, #tpu.memory_space<hbm>> -> memref<1x32xf32, #tpu.memory_space<hbm>>
      tpu.enqueue_dma source(%dma_start3A_252 : memref<1x32xf32, #tpu.memory_space<hbm>>) target(%dma_start3A_250 : memref<1x32xf32, #tpu.memory_space<vmem>>) target_semaphore(%arg13 : memref<!tpu.dma_semaphore, #tpu.memory_space<semaphore_mem>>)
    }
    %scan3A_48 = arith.constant 16 : i32
    %dma_wait3A_49 = arith.constant 0 : i32
    %dma_wait3A_50 = arith.constant 0 : i32
    %dma_wait3A_51 = tpu.memref_slice %arg3[%dma_wait3A_49, %dma_wait3A_50] : memref<1000000x32xf32, #tpu.memory_space<hbm>> -> memref<256x32xf32, #tpu.memory_space<hbm>>
    %dma_wait3A_52 = arith.constant 0 : i32
    %dma_wait3A_53 = arith.constant 0 : i32
    %dma_wait3A_54 = tpu.memref_slice %arg3[%dma_wait3A_52, %dma_wait3A_53] : memref<1000000x32xf32, #tpu.memory_space<hbm>> -> memref<256x32xf32, #tpu.memory_space<hbm>>
    tpu.wait_dma2 semaphore(%arg13 : memref<!tpu.dma_semaphore, #tpu.memory_space<semaphore_mem>>) src(%dma_wait3A_54 : memref<256x32xf32, #tpu.memory_space<hbm>>) dst(%arg11 : memref<256x32xf32, #tpu.memory_space<vmem>>)
    %add3A_55 = arith.constant 256 : i32
    %add3A_56 = arith.addi %mul3A_2, %add3A_55 : i32
    "tpu.region"() ({
      %run_scoped3A = tpu.sem_alloc : memref<!tpu.dma_semaphore, #tpu.memory_space<semaphore_mem>>
      %dma_start3A = arith.constant 0 : i32
      %dma_start3A_57 = tpu.memref_slice %arg7[%add3A_56, %dma_start3A] : memref<16384x32xf32, #tpu.memory_space<hbm>> -> memref<256x32xf32, #tpu.memory_space<hbm>>
      %dma_start3A_58 = arith.constant 0 : i32
      %dma_start3A_59 = tpu.memref_slice %arg7[%add3A_56, %dma_start3A_58] : memref<16384x32xf32, #tpu.memory_space<hbm>> -> memref<256x32xf32, #tpu.memory_space<hbm>>
      tpu.enqueue_dma source(%arg11 : memref<256x32xf32, #tpu.memory_space<vmem>>) target(%dma_start3A_59 : memref<256x32xf32, #tpu.memory_space<hbm>>) target_semaphore(%run_scoped3A : memref<!tpu.dma_semaphore, #tpu.memory_space<semaphore_mem>>)
      %dma_wait3A_60 = arith.constant 0 : i32
      %dma_wait3A_61 = tpu.memref_slice %arg7[%add3A_56, %dma_wait3A_60] : memref<16384x32xf32, #tpu.memory_space<hbm>> -> memref<256x32xf32, #tpu.memory_space<hbm>>
      %dma_wait3A_62 = arith.constant 0 : i32
      %dma_wait3A_63 = tpu.memref_slice %arg7[%add3A_56, %dma_wait3A_62] : memref<16384x32xf32, #tpu.memory_space<hbm>> -> memref<256x32xf32, #tpu.memory_space<hbm>>
      tpu.wait_dma2 semaphore(%run_scoped3A : memref<!tpu.dma_semaphore, #tpu.memory_space<semaphore_mem>>) src(%arg11 : memref<256x32xf32, #tpu.memory_space<vmem>>) dst(%dma_wait3A_63 : memref<256x32xf32, #tpu.memory_space<hbm>>)
      tpu.yield
    }) : () -> ()
    return
  }
}

</mosaic_0001>

<sc_bundles>
// kernel: kernel.3.cloned.1.call-start
scs
__scs_entry_jumppad:
0x0: {  	(pc) =	sbr.rel $0x88, $3  }
0x1: {  	(tag) =	ssettag $0x0;
	lr =	simm.s32 $0x1  }
0x2: {  	[smem:$0x3F9D] =	sst lr;
	_ =	strace $0xD0000000  }
0x3: {  	_ = 	snop  }
0x4: {  	_ = 	snop  }
0x5: {  	_ = 	snop  }
0x6: {  	_ = 	snop  }
0x7: {  	_ = 	snop  }
__scs_overlays_trampoline_lowered:
0x8: {  	[smem:$0x3FAC] =	sst s0  }
0x9: {  	[smem:$0x3FAD] =	sst s1  }
0xa: {  	[smem:$0x3FAE] =	sst s2  }
0xb: {  	[smem:$0x3FAF] =	sst s3  }
0xc: {  	[smem:$0x3FB0] =	sst s4  }
0xd: {  	[smem:$0x3FB1] =	sst s5  }
0xe: {  	[smem:$0x3FB2] =	sst s6  }
0xf: {  	[smem:$0x3FB3] =	sst s7  }
0x10: {  	[smem:$0x3FB4] =	sst s8  }
0x11: {  	[smem:$0x3FB5] =	sst s9;
	s0 =	simm.s32 @!p0 $0x0  }
0x12: {  	s1 =	sld [smem:$0x3F9B];
	s0 =	simm.s32 @p0 $0x1  }
0x13: {  	[smem:$0x3FB6] =	sst s0;
	s0 =	simm.s32 @!p1 $0x0  }
0x14: {  	s2 =	sld [smem:$0x3F9A];
	s0 =	simm.s32 @p1 $0x1  }
0x15: {  	[smem:$0x3FB7] =	sst s0;
	s0 =	simm.s32 @!p2 $0x0  }
0x16: {  	s3 =	sld [smem:$0x3FDB];
	s0 =	simm.s32 @p2 $0x1  }
0x17: {  	s4 =	simm.s32 $0x1BF5;
	[smem:$0x3FB9] =	sst s0  }
0x18: {  	s0 =	sld [smem:$0x3F9C];
	_ =	swait.ge [sflag:s4], $0x0  }
0x19: {  	s7 =	sld [smem:$0x3F9D]  }
0x1a: {  	s8 =	sadd.s32 $0xFFFFE003, lr  }
0x1b: {  	s9 =	sadd.s32 $0xFFFFFEF7, lr;
	s5 =	simm.s32 $0xFFFFFFFF;
	p2 =	slt.u32 s8, $0xFFFFF086  }
0x1c: {  	p1 =	slt.u32 s9, $0xF7A;
	s5 =	simm.s32 @!p2 $0x0  }
0x1d: {  	s5 =	simm.s32 @p1 $0x1;
	p0 =	seq.s32 s7, s2  }
0x1e: {  	s7 =	smul.u32 @!p0 $0xF7A, s2;
	p2 =	seq.s32 @!p0 s5, $0x0  }
0x1f: {  	s9 =	smul.u32 $0xF7A, s1;
	s8 =	simm.s32 @!p0 $0x1BF5;
	p2 =	por !p2, p0  }
0x20: {  	[sflag:s8] =	ssyncset.s32 @!p0 $0xFFFFF086;
	s6 =	sadd.s32 @!p0 s3, s7;
	s7 =	simm.s32 @!p0 $0x108  }
0x21: {  	s3 =	sadd.s32 s3, s9;
	s6 =	sadd.s32 @!p0 $0x88, s6;
	s7 =	simm.s32 @p2 $0x1082  }
0x22: {  	[simem:s7], [sflag:s8] =	dma.local @!p0 [hbm:s6], $0xF7A  }
0x23: {  	s9 =	sor.u32 $0xD0000000, s2;
	s6 =	simm.s32 $0x108;
	_ =	swait.ge @!p0 [sflag:s8], $0x0  }
0x24: {  	s3 =	sadd.s32 $0x88, s3;
	s6 =	simm.s32 @!p1 $0x1082;
	[sflag:s4] =	ssyncset.s32 $0xFFFFF086  }
0x25: {  	[simem:s6], [sflag:s4] =	dma.local [hbm:s3], $0xF7A  }
0x26: {  	[smem:$0x3F9D] =	sst s1;
	(tag) =	ssettag s2;
	_ =	strace s9  }
0x27: {  	s1 =	sld [smem:$0x3FAD]  }
0x28: {  	s2 =	sld [smem:$0x3FAE]  }
0x29: {  	s4 =	sld [smem:$0x3FB0]  }
0x2a: {  	p0 =	seq.s32 s5, $0x0;
	s5 =	sld [smem:$0x3FB1]  }
0x2b: {  	s6 =	sld [smem:$0x3FB2]  }
0x2c: {  	s7 =	sld [smem:$0x3FB3]  }
0x2d: {  	s3 =	simm.s32 $0x108;
	s8 =	sld [smem:$0x3FB4]  }
0x2e: {  	s3 =	simm.s32 @!p0 $0x1082;
	s9 =	sld [smem:$0x3FB5]  }
0x2f: {  	lr =	sadd.s32 s0, s3;
	s0 =	sld [smem:$0x3FAC]  }
0x30: {  	s3 =	sld [smem:$0x3FAF]  }
0x31: {  	[smem:$0x3FB8] =	sst s10  }
0x32: {  	s10 =	sld [smem:$0x3FB6];
	_ =	sdelay $0x3  }
0x33: {  	p0 =	seq.s32 s10, $0x1;
	s10 =	sld [smem:$0x3FB8];
	_ =	sdelay $0x3  }
0x34: {  	[smem:$0x3FB8] =	sst s10  }
0x35: {  	s10 =	sld [smem:$0x3FB7];
	_ =	sdelay $0x3  }
0x36: {  	p1 =	seq.s32 s10, $0x1;
	s10 =	sld [smem:$0x3FB8];
	_ =	sdelay $0x3  }
0x37: {  	[smem:$0x3FB8] =	sst s10  }
0x38: {  	s10 =	sld [smem:$0x3FB9]  }
0x39: {  	_ = 	snop;
	(pc) =	sbr.ind lr, $3  }
0x3a: {  	_ = 	snop  }
0x3b: {  	_ = 	snop  }
0x3c: {  	p2 =	seq.s32 s10, $0x1;
	s10 =	sld [smem:$0x3FB8]  }
0x3d: {  	_ =	shalt  }
0x3e: {  	_ =	shalt  }
0x3f: {  	_ =	shalt  }
0x40: {  	_ =	shalt  }
0x41: {  	_ =	shalt  }
0x42: {  	_ =	shalt  }
0x43: {  	_ =	shalt  }
0x44: {  	_ =	shalt  }
0x45: {  	_ =	shalt  }
0x46: {  	_ =	shalt  }
0x47: {  	_ =	shalt  }
0x48: {  	_ =	shalt  }
0x49: {  	_ =	shalt  }
0x4a: {  	_ =	shalt  }
0x4b: {  	_ =	shalt  }
0x4c: {  	_ =	shalt  }
0x4d: {  	_ =	shalt  }
0x4e: {  	_ =	shalt  }
0x4f: {  	_ =	shalt  }
0x50: {  	_ =	shalt  }
0x51: {  	_ =	shalt  }
0x52: {  	_ =	shalt  }
0x53: {  	_ =	shalt  }
0x54: {  	_ =	shalt  }
0x55: {  	_ =	shalt  }
0x56: {  	_ =	shalt  }
0x57: {  	_ =	shalt  }
0x58: {  	_ =	shalt  }
0x59: {  	_ =	shalt  }
0x5a: {  	_ =	shalt  }
0x5b: {  	_ =	shalt  }
0x5c: {  	_ =	shalt  }
0x5d: {  	_ =	shalt  }
0x5e: {  	_ =	shalt  }
0x5f: {  	_ =	shalt  }
0x60: {  	_ =	shalt  }
0x61: {  	_ =	shalt  }
0x62: {  	_ =	shalt  }
0x63: {  	_ =	shalt  }
0x64: {  	_ =	shalt  }
0x65: {  	_ =	shalt  }
0x66: {  	_ =	shalt  }
0x67: {  	_ =	shalt  }
0x68: {  	_ =	shalt  }
0x69: {  	_ =	shalt  }
0x6a: {  	_ =	shalt  }
0x6b: {  	_ =	shalt  }
0x6c: {  	_ =	shalt  }
0x6d: {  	_ =	shalt  }
0x6e: {  	_ =	shalt  }
0x6f: {  	_ =	shalt  }
0x70: {  	_ =	shalt  }
0x71: {  	_ =	shalt  }
0x72: {  	_ =	shalt  }
0x73: {  	_ =	shalt  }
0x74: {  	_ =	shalt  }
0x75: {  	_ =	shalt  }
0x76: {  	_ =	shalt  }
0x77: {  	_ =	shalt  }
0x78: {  	_ =	shalt  }
0x79: {  	_ =	shalt  }
0x7a: {  	_ =	shalt  }
0x7b: {  	_ =	shalt  }
0x7c: {  	_ =	shalt  }
0x7d: {  	_ =	shalt  }
0x7e: {  	_ =	shalt  }
0x7f: {  	_ =	shalt  }
0x80: {  	_ =	shalt  }
0x81: {  	_ =	shalt  }
0x82: {  	_ =	shalt  }
0x83: {  	_ =	shalt  }
0x84: {  	_ =	shalt  }
0x85: {  	_ =	shalt  }
0x86: {  	_ =	shalt  }
0x87: {  	_ =	shalt  }
.Lfunc_end0:
.L_simem_size_0:
called_computation_lowered:
.L_overlay_start_0:
0x88: {  	s2 =	sld [smem:$0x3FD9]  }
0x89: {  	s3 =	sld [smem:$0x3FFE];
	_ =	sdelay $0x1  }
0x8a: {  	s1 =	srdreg.scid  }
0x8b: {  	s0 =	sand.u32 $0x1, s1  }
0x8c: {  	s17 =	sshll.u32 s0, $0xA;
	s2 =	sadd.s32 s3, s2  }
0x8d: {  	s2 =	sadd.s32 s2, s17  }
0x8e: {  	[smem:$0x3FC4] =	sst s2  }
0x8f: {  	_ = 	snop  }
0x90: {  	s2 =	sld [smem:$0x3FC7]  }
0x91: {  	s18 =	sld [smem:$0x3FC6];
	(tm) =	ssettm $0x1  }
0x92: {  	s4 =	sld [smem:$0x3FFB];
	_ =	sdelay $0x3  }
0x93: {  	_ =	strace s4  }
0x94: {  	s4 =	sld [smem:$0x3FFC];
	_ =	sdelay $0x3  }
0x95: {  	_ =	strace s4  }
0x96: {  	s4 =	sld [smem:$0x3FFD];
	_ =	sdelay $0x3  }
0x97: {  	_ =	strace s4  }
0x98: {  	_ =	strace $0x8FFFFFFF  }
0x99: {  	s19 =	sld [smem:$0x3FDB];
	_ =	sdelay $0x1  }
0x9a: {  	s5 =	simm.s32 $_scs_section_size  }
0x9b: {  	s6 =	simm.s32 $_size__tile_overlayer_lowered;
	s7 =	simm.s32 $_tile_overlayer_lowered  }
0x9c: {  	s22 =	simm.s32 $0x1BFF;
	s21 =	sshll.u32 s7, $0x1;
	s4 =	sadd.s32 s5, s19  }
0x9d: {  	s8 =	simm.s32 $0x0;
	s20 =	sshll.u32 s6, $0x1;
	s6 =	sadd.s32 s21, s4  }
0x9e: {  	[timem:s8], [sflag:s22] =	dma.local [hbm:s6], s20  }
0x9f: {  	_ =	swait.ge [sflag:s22], s20  }
0xa0: {  	s5 =	ssub.s32 $0x0, s20;
	[sflag:s22] =	ssyncset.done $0x0  }
0xa1: {  	[sflag:s22] =	ssyncadd.s32 s5;
	_ =	sdelay $0x1  }
0xa2: {  	s23 =	simm.s32 $0x1B8B  }
0xa3: {  	_ =	swait.ge [sflag:s23], $0x1  }
0xa4: {  	[sflag:s23] =	ssyncset.done $0x0  }
0xa5: {  	s25 =	simm.s32 $0x1B8E;
	s24 =	sld [smem:$0x3FFE];
	[sflag:s23] =	ssyncadd.s32 $0xFFFFFFFF  }
0xa6: {  	s26 =	simm.s32 $execute0_lowered;
	[smem:$0x3FD2] =	sst s25  }
0xa7: {  	s6 =	sshll.u32 s26, $0x1;
	_ =	strace $0x80000046;
	[dreg:$0x1] =	wrdreg $0xFFFFFFFF  }
0xa8: {  	s28 =	simm.s32 $_size_execute0_lowered;
	s4 =	sadd.s32 s4, s6;
	[dreg:$0x0] =	wrdreg $0x0  }
0xa9: {  	s6 =	sshll.u32 s28, $0x1;
	[dreg:$0x2] =	wrdreg s4  }
0xaa: {  	[dreg:$0x3] =	wrdreg s6  }
0xab: {  	[dreg:$0x4] =	wrdreg $0xC0  }
0xac: {  	_ =	task [dreg:s8], $0x5FFFF  }
0xad: {  	[dreg:$0x1] =	wrdreg $0xFFFFFFFF  }
0xae: {  	[dreg:$0x0] =	wrdreg $0x60  }
0xaf: {  	[dreg:$0x2] =	wrdreg s24  }
0xb0: {  	[dreg:$0x3] =	wrdreg s2  }
0xb1: {  	[dreg:$0x4] =	wrdreg s18  }
0xb2: {  	[dreg:$0x5] =	wrdreg $0x9  }
0xb3: {  	_ =	task.clear_ibuf [dreg:s8], $0x6FFFF;
	_ =	strace $0x90000046  }
0xb4: {  	s29 =	simm.s32 $0x9;
	_ =	strace $0x80000048  }
0xb5: {  	_ =	swait.ge [sflag:s29], $0x1  }
0xb6: {  	[sflag:s29] =	ssyncadd.s32 $0xFFFFFFFF  }
0xb7: {  	_ =	strace $0x90000048  }
0xb8: {  	_ =	sfence  }
0xb9: {  	s30 =	sld [smem:$0x0];
	_ =	sdelay $0x2  }
0xba: {  	s31 =	sshll.u32 s1, $0xD;
	s1 =	sshrl.u32 s1, $0x2  }
0xbb: {  	s3 =	sand.u32 $0x4000, s31;
	s1 =	sadd.s32 s1, s30  }
0xbc: {  	s0 =	sor.u32 s3, s0;
	s1 =	sshll.u32 s1, $0x11  }
0xbd: {  	s0 =	sor.u32 s1, s0  }
0xbe: {  	s0 =	sadd.s32 $0x8F2B, s0  }
0xbf: {  	[sflag:s0] =	ssyncadd.remote.s32 $0x1  }
0xc0: {  	_ =	sfence.sel $0xFFFF  }
0xc1: {  	[dreg:$0x0] =	wrdreg $0xFFFFFFFF;
	(pc) =	sbr.abs _section_cstart, $3  }
0xc2: {  	[dreg:$0x1] =	wrdreg $0xFFFFFFFF  }
0xc3: {  	_ =	task.clear_ibuf [dreg:s8], $0x2FFFF;
	_ =	strace $0x9FFFFFFF  }
0xc4: {  	(tm) =	ssettm $0x7FFFFFFF  }
0xc5: {  	_ =	shalt  }
tec
execute0_lowered:
.L_overlay_start_1:
0x0: {  	(tag) =	ssettag $0x1  }
0x1: {  	s5 =	rddreg [dreg:$0x0]  }
0x2: {  	s6 =	rddreg [dreg:$0x1]  }
0x3: {  	s7 =	rddreg [dreg:$0x2]  }
0x4: {  	s1 =	simm.s32 $0x0;
	s8 =	srdreg.scid;
	s0 =	stileid.u32  }
0x5: {  	s14 =	simm.s32 $0x1;
	s16 =	simm.s32 $0x2;
	s18 =	simm.s32 $0x0  }
0x6: {  	[smem:$0x7FF] =	sst s1;
	s3 =	sadd.s32 $0x800, s5;
	s8 =	sand.u32 $0x1, s8  }
0x7: {  	s11 =	sshll.u32 s0, $0xA;
	s10 =	ssub.s32 $0x2, s8;
	s8 =	sshll.u32 s8, $0x9  }
0x8: {  	s4 =	sadd.s32 $0xF42C00, s5;
	s9 =	sadd.s32 $0x1E85000, s5;
	s8 =	sor.u32 s8, s11  }
0x9: {  	s12 =	sadd.s32 $0x1EC5000, s5;
	s24 =	sshrl.u32 s10, $0x1;
	s26 =	sshrl.u32 s8, $0x3  }
0xa: {  	_ =	strace $0x80000047;
	s25 =	ssub.s32 s10, s24;
	s28 =	sadd.s32 s6, s26  }
0xb: {  	s13 =	sshll.u32 s8, $0x4;
	s29 =	sadd.s32 s7, s26;
	[dreg:$0x4] =	wrdreg s28  }
0xc: {  	s30 =	sor.u32 $0x1000, s13;
	s31 =	sadd.s32 s9, s13;
	[dreg:$0x5] =	wrdreg s29  }
0xd: {  	s11 =	smax.u32 s25, $0x1;
	[dreg:$0x6] =	wrdreg s31;
	s8 =	sadd.s32 s9, s30  }
0xe: {  	s9 =	sadd.s32 s12, s13;
	s10 =	sadd.s32 s12, s30;
	s12 =	simm.s32 $0x3  }
.LBB2_1:
0xf: {  	s0 =	rddreg [dreg:$0x4]  }
0x10: {  	[tilespmem:s1], [sflag:$0x3] =	stream.linear.gather [hbm4b:s0+s1], $0x200, $0x38;
	[tilespmem:$0x10400] =	vst v63  }
0x11: {  	_ =	swait.ge [sflag:s12], $0x200  }
0x12: {  	[sflag:s12] =	ssyncset.done $0x0  }
0x13: {  	s2 =	simm.s32 $0x200;
	s31 =	rddreg [dreg:$0x5];
	[sflag:s12] =	ssyncadd.s32 $0xFFFFFE00  }
0x14: {  	[tilespmem:s2], [sflag:$0x3] =	stream.linear.gather [hbm4b:s31+s1], $0x200, $0x38;
	[tilespmem:$0x10400] =	vst v63  }
0x15: {  	_ =	swait.ge [sflag:s12], $0x200  }
0x16: {  	[sflag:s12] =	ssyncset.done $0x0  }
0x17: {  	[sflag:s12] =	ssyncadd.s32 $0xFFFFFE00  }
0x18: {  	v0 =	vld [tilespmem:s1+$0x0];
	_ =	sdelay $0x4  }
0x19: {  	v0 =	vshll.u32 v0, $0x4  }
0x1a: {  	(v2sf) =	vpush v0, $0x0  }
0x1b: {  	(v2sf) =	vpush v0, $0x1  }
0x1c: {  	(v2sf) =	vpush v0, $0x2;
	_ =	sdelay $0x1  }
0x1d: {  	(v2sf) =	vpush v0, $0x4;
	_ =	sdelay $0x1  }
0x1e: {  	(v2sf) =	vpush v0, $0x3  }
0x1f: {  	(v2sf) =	vpush v0, $0x5  }
0x20: {  	s20 =	simm.s32 $0x2000;
	s19 =	simm.s32 $0x0;
	s21 =	simm.s32 $0x0;
	(v2sf) =	vpush v0, $0x6  }
.LBB2_2:
0x21: {  	p0 =	sne.s32 s20, $0x1E000  }
0x22: {  	s0 =	sadd.s32 $0x480, s19;
	s25 =	sadd.s32 $0x980, s19;
	s22 =	smov.u32 s20  }
0x23: {  	s20 =	sadd.s32 $0x2000, s20;
	s29 =	sadd.s32 $0x780, s19;
	s23 =	sadd.s32 $0xA00, s19;
	(v2sf) =	vpush v0, $0x7  }
0x24: {  	s31 =	sadd.s32 $0x680, s19;
	s28 =	sadd.s32 $0x800, s19;
	s24 =	sadd.s32 $0xA80, s19  }
0x25: {  	s2 =	sadd.s32 $0x400, s19;
	s13 =	sadd.s32 $0x600, s19;
	(v2sf) =	vpush v0, $0x8  }
0x26: {  	s15 =	sadd.s32 $0x700, s19;
	s21 =	sadd.s32 $0x10, s21  }
0x27: {  	s17 =	sadd.s32 $0x500, s19;
	s26 =	sadd.s32 $0x900, s19;
	s30 =	spop (v2sf);
	(v2sf) =	vpush v0, $0x9  }
0x28: {  	s5 =	sand.u32 $0x1FFFFFF0, s30;
	s30 =	sadd.s32 $0x880, s19;
	s6 =	spop (v2sf)  }
0x29: {  	s5 =	sadd.s32 s3, s5;
	s6 =	sand.u32 $0x1FFFFFF0, s6;
	s7 =	spop (v2sf);
	(v2sf) =	vpush v0, $0xA  }
0x2a: {  	[tilespmem:s2], [sflag:$0x1] =	stream.linear.gather [hbm4b:s5+s1], $0x80, $0x38;
	[tilespmem:$0x10400] =	vst v63  }
0x2b: {  	s2 =	sadd.s32 s3, s6;
	s5 =	sadd.s32 $0x580, s19;
	s6 =	spop (v2sf);
	(v2sf) =	vpush v0, $0xB  }
0x2c: {  	[tilespmem:s0], [sflag:$0x1] =	stream.linear.gather [hbm4b:s2+s1], $0x80, $0x38;
	[tilespmem:$0x10400] =	vst v63  }
0x2d: {  	s0 =	sand.u32 $0x1FFFFFF0, s7;
	s2 =	sand.u32 $0x1FFFFFF0, s6;
	s6 =	spop (v2sf);
	(v2sf) =	vpush v0, $0xC  }
0x2e: {  	s0 =	sadd.s32 s3, s0;
	s6 =	sand.u32 $0x1FFFFFF0, s6;
	s7 =	spop (v2sf)  }
0x2f: {  	[tilespmem:s17], [sflag:$0x1] =	stream.linear.gather [hbm4b:s0+s1], $0x80, $0x38;
	(v2sf) =	vpush v0, $0xD;
	[tilespmem:$0x10400] =	vst v63  }
0x30: {  	s0 =	sadd.s32 s3, s6;
	s6 =	sand.u32 $0x1FFFFFF0, s7;
	s7 =	spop (v2sf)  }
0x31: {  	[tilespmem:s5], [sflag:$0x1] =	stream.linear.gather [hbm4b:s0+s1], $0x80, $0x38;
	(v2sf) =	vpush v0, $0xE;
	[tilespmem:$0x10400] =	vst v63  }
0x32: {  	s0 =	sadd.s32 s3, s2;
	s2 =	sand.u32 $0x1FFFFFF0, s7;
	s5 =	spop (v2sf)  }
0x33: {  	[tilespmem:s13], [sflag:$0x1] =	stream.linear.gather [hbm4b:s0+s1], $0x80, $0x38;
	(v2sf) =	vpush v0, $0xF;
	[tilespmem:$0x10400] =	vst v63  }
0x34: {  	s0 =	sadd.s32 s3, s6;
	s5 =	sand.u32 $0x1FFFFFF0, s5;
	s6 =	spop (v2sf)  }
0x35: {  	[tilespmem:s31], [sflag:$0x1] =	stream.linear.gather [hbm4b:s0+s1], $0x80, $0x38;
	[tilespmem:$0x10400] =	vst v63  }
0x36: {  	s0 =	sadd.s32 s3, s2;
	s2 =	sand.u32 $0x1FFFFFF0, s6;
	s6 =	spop (v2sf)  }
0x37: {  	[tilespmem:s15], [sflag:$0x1] =	stream.linear.gather [hbm4b:s0+s1], $0x80, $0x38;
	[tilespmem:$0x10400] =	vst v63  }
0x38: {  	s0 =	sadd.s32 s3, s5;
	s5 =	sand.u32 $0x1FFFFFF0, s6;
	s6 =	spop (v2sf)  }
0x39: {  	[tilespmem:s29], [sflag:$0x1] =	stream.linear.gather [hbm4b:s0+s1], $0x80, $0x38;
	[tilespmem:$0x10400] =	vst v63  }
0x3a: {  	s0 =	sadd.s32 s3, s2;
	s2 =	sand.u32 $0x1FFFFFF0, s6;
	s6 =	spop (v2sf)  }
0x3b: {  	[tilespmem:s28], [sflag:$0x1] =	stream.linear.gather [hbm4b:s0+s1], $0x80, $0x38;
	[tilespmem:$0x10400] =	vst v63  }
0x3c: {  	s0 =	sadd.s32 s3, s5;
	s5 =	sand.u32 $0x1FFFFFF0, s6;
	s6 =	spop (v2sf)  }
0x3d: {  	[tilespmem:s30], [sflag:$0x1] =	stream.linear.gather [hbm4b:s0+s1], $0x80, $0x38;
	[tilespmem:$0x10400] =	vst v63  }
0x3e: {  	s0 =	sadd.s32 s3, s2;
	s2 =	sand.u32 $0x1FFFFFF0, s6;
	s6 =	spop (v2sf)  }
0x3f: {  	[tilespmem:s26], [sflag:$0x1] =	stream.linear.gather [hbm4b:s0+s1], $0x80, $0x38;
	[tilespmem:$0x10400] =	vst v63  }
0x40: {  	s0 =	sadd.s32 s3, s5;
	s5 =	sand.u32 $0x1FFFFFF0, s6;
	s6 =	spop (v2sf)  }
0x41: {  	[tilespmem:s25], [sflag:$0x1] =	stream.linear.gather [hbm4b:s0+s1], $0x80, $0x38;
	[tilespmem:$0x10400] =	vst v63  }
0x42: {  	s0 =	sadd.s32 s3, s2;
	s2 =	sand.u32 $0x1FFFFFF0, s6;
	s6 =	spop (v2sf)  }
0x43: {  	[tilespmem:s23], [sflag:$0x1] =	stream.linear.gather [hbm4b:s0+s1], $0x80, $0x38;
	[tilespmem:$0x10400] =	vst v63  }
0x44: {  	s0 =	sadd.s32 s3, s5;
	s5 =	sand.u32 $0x1FFFFFF0, s6  }
0x45: {  	[tilespmem:s24], [sflag:$0x1] =	stream.linear.gather [hbm4b:s0+s1], $0x80, $0x38;
	[tilespmem:$0x10400] =	vst v63  }
0x46: {  	s2 =	sadd.s32 s3, s2;
	s0 =	sadd.s32 $0xB00, s19  }
0x47: {  	[tilespmem:s0], [sflag:$0x1] =	stream.linear.gather [hbm4b:s2+s1], $0x80, $0x38;
	[tilespmem:$0x10400] =	vst v63  }
0x48: {  	s0 =	sadd.s32 $0xB80, s19;
	s2 =	sadd.s32 s3, s5  }
0x49: {  	[tilespmem:s0], [sflag:$0x1] =	stream.linear.gather [hbm4b:s2+s1], $0x80, $0x38;
	[tilespmem:$0x10400] =	vst v63  }
0x4a: {  	v0 =	vld [tilespmem:s21+$0x0];
	_ =	sdelay $0x4  }
0x4b: {  	v0 =	vshll.u32 v0, $0x4  }
0x4c: {  	(v2sf) =	vpush v0, $0x0  }
0x4d: {  	(v2sf) =	vpush v0, $0x1  }
0x4e: {  	(v2sf) =	vpush v0, $0x2;
	_ =	sdelay $0x1  }
0x4f: {  	(v2sf) =	vpush v0, $0x4  }
.Ltmp0:
0x50: {  	(pc) =	sbr.rel @p0 .LBB2_2-.Ltmp0, $3  }
0x51: {  	(v2sf) =	vpush v0, $0x3  }
0x52: {  	(v2sf) =	vpush v0, $0x5;
	_ =	sdelay $0x1  }
0x53: {  	s19 =	sshra.s32 s22, $0x2;
	(v2sf) =	vpush v0, $0x6  }
0x54: {  	_ =	sdelay $0x1  }
0x55: {  	s0 =	sadd.s32 $0x480, s19;
	s22 =	sadd.s32 $0x980, s19  }
0x56: {  	s2 =	sadd.s32 $0x780, s19;
	s20 =	sadd.s32 $0xA00, s19;
	(v2sf) =	vpush v0, $0x7;
	s5 =	sadd.s32 $0x680, s19  }
0x57: {  	s6 =	sadd.s32 $0x800, s19;
	s21 =	sadd.s32 $0xA80, s19;
	s7 =	sadd.s32 $0x400, s19  }
0x58: {  	s13 =	sadd.s32 $0x600, s19;
	s15 =	sadd.s32 $0x700, s19;
	(v2sf) =	vpush v0, $0x8;
	s17 =	spop (v2sf)  }
0x59: {  	s23 =	sadd.s32 $0x500, s19;
	s17 =	sand.u32 $0x1FFFFFF0, s17;
	s24 =	spop (v2sf)  }
0x5a: {  	(v2sf) =	vpush v0, $0x9;
	s17 =	sadd.s32 s3, s17;
	s24 =	sand.u32 $0x1FFFFFF0, s24;
	s25 =	spop (v2sf)  }
0x5b: {  	[tilespmem:s7], [sflag:$0x1] =	stream.linear.gather [hbm4b:s17+s1], $0x80, $0x38;
	[tilespmem:$0x10400] =	vst v63  }
0x5c: {  	s26 =	sadd.s32 $0x580, s19;
	(v2sf) =	vpush v0, $0xA;
	s30 =	sadd.s32 s3, s24;
	s31 =	spop (v2sf)  }
0x5d: {  	[tilespmem:s0], [sflag:$0x1] =	stream.linear.gather [hbm4b:s30+s1], $0x80, $0x38;
	[tilespmem:$0x10400] =	vst v63  }
0x5e: {  	s7 =	sadd.s32 $0x900, s19;
	s28 =	sand.u32 $0x1FFFFFF0, s25;
	(v2sf) =	vpush v0, $0xB;
	s29 =	spop (v2sf)  }
0x5f: {  	s17 =	sadd.s32 s3, s28;
	s0 =	sadd.s32 $0x880, s19;
	s25 =	sand.u32 $0x1FFFFFF0, s29  }
0x60: {  	(v2sf) =	vpush v0, $0xC;
	[tilespmem:s23], [sflag:$0x1] =	stream.linear.gather [hbm4b:s17+s1], $0x80, $0x38;
	[tilespmem:$0x10400] =	vst v63  }
0x61: {  	s30 =	sand.u32 $0x1FFFFFF0, s31;
	s31 =	spop (v2sf);
	s28 =	sadd.s32 s3, s25  }
0x62: {  	(v2sf) =	vpush v0, $0xD;
	[tilespmem:s26], [sflag:$0x1] =	stream.linear.gather [hbm4b:s28+s1], $0x80, $0x38;
	[tilespmem:$0x10400] =	vst v63  }
0x63: {  	s17 =	sadd.s32 s3, s30;
	s23 =	sand.u32 $0x1FFFFFF0, s31;
	s29 =	spop (v2sf)  }
0x64: {  	(v2sf) =	vpush v0, $0xE;
	[tilespmem:s13], [sflag:$0x1] =	stream.linear.gather [hbm4b:s17+s1], $0x80, $0x38;
	[tilespmem:$0x10400] =	vst v63  }
0x65: {  	s23 =	sadd.s32 s3, s23;
	s30 =	sand.u32 $0x1FFFFFF0, s29;
	s31 =	spop (v2sf)  }
0x66: {  	(v2sf) =	vpush v0, $0xF;
	[tilespmem:s5], [sflag:$0x1] =	stream.linear.gather [hbm4b:s23+s1], $0x80, $0x38;
	[tilespmem:$0x10400] =	vst v63  }
0x67: {  	s24 =	sand.u32 $0x1FFFFFF0, s31;
	s25 =	spop (v2sf);
	s13 =	sadd.s32 s3, s30  }
0x68: {  	[tilespmem:s15], [sflag:$0x1] =	stream.linear.gather [hbm4b:s13+s1], $0x80, $0x38;
	[tilespmem:$0x10400] =	vst v63  }
0x69: {  	s26 =	sand.u32 $0x1FFFFFF0, s25;
	s5 =	sadd.s32 s3, s24;
	s28 =	spop (v2sf)  }
0x6a: {  	[tilespmem:s2], [sflag:$0x1] =	stream.linear.gather [hbm4b:s5+s1], $0x80, $0x38;
	[tilespmem:$0x10400] =	vst v63  }
0x6b: {  	s13 =	sadd.s32 s3, s26;
	s29 =	sand.u32 $0x1FFFFFF0, s28;
	s30 =	spop (v2sf)  }
0x6c: {  	[tilespmem:s6], [sflag:$0x1] =	stream.linear.gather [hbm4b:s13+s1], $0x80, $0x38;
	[tilespmem:$0x10400] =	vst v63  }
0x6d: {  	s5 =	sand.u32 $0x1FFFFFF0, s30;
	s2 =	sadd.s32 s3, s29;
	s31 =	spop (v2sf)  }
0x6e: {  	[tilespmem:s0], [sflag:$0x1] =	stream.linear.gather [hbm4b:s2+s1], $0x80, $0x38;
	[tilespmem:$0x10400] =	vst v63  }
0x6f: {  	s5 =	sadd.s32 s3, s5;
	s6 =	sand.u32 $0x1FFFFFF0, s31;
	s13 =	spop (v2sf)  }
0x70: {  	[tilespmem:s7], [sflag:$0x1] =	stream.linear.gather [hbm4b:s5+s1], $0x80, $0x38;
	[tilespmem:$0x10400] =	vst v63  }
0x71: {  	s0 =	sadd.s32 s3, s6;
	s2 =	sand.u32 $0x1FFFFFF0, s13;
	s15 =	spop (v2sf)  }
0x72: {  	[tilespmem:s22], [sflag:$0x1] =	stream.linear.gather [hbm4b:s0+s1], $0x80, $0x38;
	[tilespmem:$0x10400] =	vst v63  }
0x73: {  	s17 =	sand.u32 $0x1FFFFFF0, s15;
	s2 =	sadd.s32 s3, s2;
	s22 =	spop (v2sf)  }
0x74: {  	[tilespmem:s20], [sflag:$0x1] =	stream.linear.gather [hbm4b:s2+s1], $0x80, $0x38;
	[tilespmem:$0x10400] =	vst v63  }
0x75: {  	s0 =	sadd.s32 s3, s17;
	s23 =	sand.u32 $0x1FFFFFF0, s22;
	s24 =	spop (v2sf)  }
0x76: {  	[tilespmem:s21], [sflag:$0x1] =	stream.linear.gather [hbm4b:s0+s1], $0x80, $0x38;
	[tilespmem:$0x10400] =	vst v63  }
0x77: {  	s26 =	sadd.s32 $0xB00, s19;
	s25 =	sand.u32 $0x1FFFFFF0, s24;
	s2 =	sadd.s32 s3, s23  }
0x78: {  	[tilespmem:s26], [sflag:$0x1] =	stream.linear.gather [hbm4b:s2+s1], $0x80, $0x38;
	[tilespmem:$0x10400] =	vst v63  }
0x79: {  	s28 =	sadd.s32 $0xB80, s19;
	s0 =	sadd.s32 s3, s25  }
0x7a: {  	[tilespmem:s28], [sflag:$0x1] =	stream.linear.gather [hbm4b:s0+s1], $0x80, $0x38;
	[tilespmem:$0x10400] =	vst v63  }
0x7b: {  	_ =	swait.ge [sflag:s14], $0x8000  }
0x7c: {  	s19 =	simm.s32 $0x0;
	[sflag:s14] =	ssyncset.done $0x0  }
0x7d: {  	s30 =	simm.s32 $0x400;
	s29 =	rddreg [dreg:$0x6];
	[sflag:s14] =	ssyncadd.s32 $0xFFFF8000  }
0x7e: {  	[hbm4b:s29+s19] =	stream.linear.scatter [tilespmem:s30], [sflag:$0x3], $0x8000, $0x38;
	[tilespmem:$0x10400] =	vst v63  }
0x7f: {  	_ =	swait.ge [sflag:s12], $0x8000  }
0x80: {  	[sflag:s12] =	ssyncset.done $0x0  }
0x81: {  	s31 =	sand.u32 $0xF0, s19;
	[sflag:s12] =	ssyncadd.s32 $0xFFFF8000  }
0x82: {  	v0 =	vld [tilespmem:s31+$0x100];
	_ =	sdelay $0x4  }
0x83: {  	v0 =	vshll.u32 v0, $0x4  }
0x84: {  	(v2sf) =	vpush v0, $0x0  }
0x85: {  	(v2sf) =	vpush v0, $0x2  }
0x86: {  	(v2sf) =	vpush v0, $0x1;
	_ =	sdelay $0x1  }
0x87: {  	(v2sf) =	vpush v0, $0x3  }
0x88: {  	(v2sf) =	vpush v0, $0x4;
	_ =	sdelay $0x2  }
0x89: {  	s20 =	simm.s32 $0x2000;
	s21 =	simm.s32 $0x10  }
.LBB2_4:
0x8a: {  	p0 =	sne.s32 s20, $0x1E000;
	(v2sf) =	vpush v0, $0x5;
	s0 =	smov.u32 s20;
	s20 =	sadd.s32 $0x2000, s20  }
0x8b: {  	s22 =	sshra.s32 s19, $0x2;
	s19 =	smov.u32 s0  }
0x8c: {  	s0 =	sadd.s32 $0x8480, s22;
	(v2sf) =	vpush v0, $0x6  }
0x8d: {  	s2 =	sadd.s32 $0x8400, s22  }
0x8e: {  	s25 =	sadd.s32 $0x8980, s22;
	s24 =	sadd.s32 $0x8A00, s22;
	s23 =	sadd.s32 $0x8A80, s22;
	(v2sf) =	vpush v0, $0x7  }
0x8f: {  	s29 =	sadd.s32 $0x8800, s22;
	s28 =	sadd.s32 $0x8880, s22;
	s26 =	sadd.s32 $0x8900, s22  }
0x90: {  	s5 =	sadd.s32 $0x8700, s22;
	s30 =	sadd.s32 $0x8780, s22;
	s6 =	spop (v2sf);
	(v2sf) =	vpush v0, $0x8  }
0x91: {  	s7 =	sadd.s32 $0x8500, s22;
	s6 =	sand.u32 $0x1FFFFFF0, s6;
	s13 =	spop (v2sf)  }
0x92: {  	s15 =	sadd.s32 $0x8680, s22;
	s6 =	sadd.s32 s3, s6;
	s17 =	spop (v2sf);
	(v2sf) =	vpush v0, $0x9  }
0x93: {  	[tilespmem:s2], [sflag:$0x2] =	stream.linear.gather [hbm4b:s6+s1], $0x80, $0x38;
	[tilespmem:$0x10400] =	vst v63  }
0x94: {  	s2 =	sand.u32 $0x1FFFFFF0, s17;
	s6 =	sand.u32 $0x1FFFFFF0, s13;
	s13 =	spop (v2sf);
	(v2sf) =	vpush v0, $0xA  }
0x95: {  	s17 =	sadd.s32 $0x8600, s22;
	s2 =	sadd.s32 s3, s2;
	s31 =	spop (v2sf)  }
0x96: {  	[tilespmem:s0], [sflag:$0x2] =	stream.linear.gather [hbm4b:s2+s1], $0x80, $0x38;
	(v2sf) =	vpush v0, $0xB;
	[tilespmem:$0x10400] =	vst v63  }
0x97: {  	s0 =	sadd.s32 s3, s6;
	s2 =	sand.u32 $0x1FFFFFF0, s13;
	s6 =	sand.u32 $0x1FFFFFF0, s31  }
0x98: {  	[tilespmem:s7], [sflag:$0x2] =	stream.linear.gather [hbm4b:s0+s1], $0x80, $0x38;
	(v2sf) =	vpush v0, $0xC;
	[tilespmem:$0x10400] =	vst v63  }
0x99: {  	s2 =	sadd.s32 s3, s2;
	s0 =	sadd.s32 $0x8580, s22;
	s7 =	spop (v2sf)  }
0x9a: {  	[tilespmem:s0], [sflag:$0x2] =	stream.linear.gather [hbm4b:s2+s1], $0x80, $0x38;
	(v2sf) =	vpush v0, $0xD;
	[tilespmem:$0x10400] =	vst v63  }
0x9b: {  	s0 =	sadd.s32 s3, s6;
	s2 =	sand.u32 $0x1FFFFFF0, s7;
	s6 =	spop (v2sf)  }
0x9c: {  	[tilespmem:s17], [sflag:$0x2] =	stream.linear.gather [hbm4b:s0+s1], $0x80, $0x38;
	(v2sf) =	vpush v0, $0xE;
	[tilespmem:$0x10400] =	vst v63  }
0x9d: {  	s0 =	sadd.s32 s3, s2;
	s2 =	sand.u32 $0x1FFFFFF0, s6;
	s6 =	spop (v2sf)  }
0x9e: {  	[tilespmem:s15], [sflag:$0x2] =	stream.linear.gather [hbm4b:s0+s1], $0x80, $0x38;
	(v2sf) =	vpush v0, $0xF;
	[tilespmem:$0x10400] =	vst v63  }
0x9f: {  	s0 =	sadd.s32 s3, s2;
	s2 =	sand.u32 $0x1FFFFFF0, s6;
	s6 =	spop (v2sf)  }
0xa0: {  	[tilespmem:s5], [sflag:$0x2] =	stream.linear.gather [hbm4b:s0+s1], $0x80, $0x38;
	[tilespmem:$0x10400] =	vst v63  }
0xa1: {  	s0 =	sadd.s32 s3, s2;
	s2 =	sand.u32 $0x1FFFFFF0, s6;
	s5 =	spop (v2sf)  }
0xa2: {  	[tilespmem:s30], [sflag:$0x2] =	stream.linear.gather [hbm4b:s0+s1], $0x80, $0x38;
	[tilespmem:$0x10400] =	vst v63  }
0xa3: {  	s0 =	sadd.s32 s3, s2;
	s2 =	sand.u32 $0x1FFFFFF0, s5;
	s5 =	spop (v2sf)  }
0xa4: {  	[tilespmem:s29], [sflag:$0x2] =	stream.linear.gather [hbm4b:s0+s1], $0x80, $0x38;
	[tilespmem:$0x10400] =	vst v63  }
0xa5: {  	s0 =	sadd.s32 s3, s2;
	s2 =	sand.u32 $0x1FFFFFF0, s5;
	s5 =	spop (v2sf)  }
0xa6: {  	[tilespmem:s28], [sflag:$0x2] =	stream.linear.gather [hbm4b:s0+s1], $0x80, $0x38;
	[tilespmem:$0x10400] =	vst v63  }
0xa7: {  	s0 =	sadd.s32 s3, s2;
	s2 =	sand.u32 $0x1FFFFFF0, s5;
	s5 =	spop (v2sf)  }
0xa8: {  	[tilespmem:s26], [sflag:$0x2] =	stream.linear.gather [hbm4b:s0+s1], $0x80, $0x38;
	[tilespmem:$0x10400] =	vst v63  }
0xa9: {  	s0 =	sadd.s32 s3, s2;
	s2 =	sand.u32 $0x1FFFFFF0, s5;
	s5 =	spop (v2sf)  }
0xaa: {  	[tilespmem:s25], [sflag:$0x2] =	stream.linear.gather [hbm4b:s0+s1], $0x80, $0x38;
	[tilespmem:$0x10400] =	vst v63  }
0xab: {  	s0 =	sadd.s32 s3, s2;
	s2 =	sand.u32 $0x1FFFFFF0, s5;
	s5 =	spop (v2sf)  }
0xac: {  	[tilespmem:s24], [sflag:$0x2] =	stream.linear.gather [hbm4b:s0+s1], $0x80, $0x38;
	[tilespmem:$0x10400] =	vst v63  }
0xad: {  	s0 =	sadd.s32 s3, s2;
	s2 =	sand.u32 $0x1FFFFFF0, s5;
	s5 =	spop (v2sf)  }
0xae: {  	[tilespmem:s23], [sflag:$0x2] =	stream.linear.gather [hbm4b:s0+s1], $0x80, $0x38;
	[tilespmem:$0x10400] =	vst v63  }
0xaf: {  	s2 =	sadd.s32 s3, s2;
	s0 =	sadd.s32 $0x8B00, s22;
	s5 =	sand.u32 $0x1FFFFFF0, s5  }
0xb0: {  	[tilespmem:s0], [sflag:$0x2] =	stream.linear.gather [hbm4b:s2+s1], $0x80, $0x38;
	[tilespmem:$0x10400] =	vst v63  }
0xb1: {  	s5 =	sadd.s32 s3, s5;
	s0 =	sand.u32 $0xF0, s21;
	s2 =	sadd.s32 $0x8B80, s22  }
0xb2: {  	[tilespmem:s2], [sflag:$0x2] =	stream.linear.gather [hbm4b:s5+s1], $0x80, $0x38;
	[tilespmem:$0x10400] =	vst v63  }
0xb3: {  	v0 =	vld [tilespmem:s0+$0x100];
	_ =	sdelay $0x4  }
0xb4: {  	v0 =	vshll.u32 v0, $0x4  }
0xb5: {  	(v2sf) =	vpush v0, $0x0  }
0xb6: {  	(v2sf) =	vpush v0, $0x2  }
0xb7: {  	(v2sf) =	vpush v0, $0x1;
	_ =	sdelay $0x1  }
.Ltmp1:
0xb8: {  	(v2sf) =	vpush v0, $0x3;
	(pc) =	sbr.rel @p0 .LBB2_4-.Ltmp1, $2  }
0xb9: {  	(v2sf) =	vpush v0, $0x4;
	_ =	sdelay $0x2  }
0xba: {  	s21 =	sadd.s32 $0x10, s21  }
0xbb: {  	(v2sf) =	vpush v0, $0x5;
	_ =	sdelay $0x1  }
0xbc: {  	s19 =	sshra.s32 s19, $0x2;
	(v2sf) =	vpush v0, $0x6  }
0xbd: {  	s0 =	sadd.s32 $0x8480, s19;
	s2 =	sadd.s32 $0x8400, s19  }
0xbe: {  	s22 =	sadd.s32 $0x8980, s19;
	s21 =	sadd.s32 $0x8A00, s19;
	s20 =	sadd.s32 $0x8A80, s19;
	(v2sf) =	vpush v0, $0x7  }
0xbf: {  	s5 =	sadd.s32 $0x8800, s19;
	s6 =	sadd.s32 $0x8880, s19;
	s7 =	sadd.s32 $0x8900, s19  }
0xc0: {  	s13 =	sadd.s32 $0x8700, s19;
	s15 =	sadd.s32 $0x8780, s19;
	s17 =	spop (v2sf);
	(v2sf) =	vpush v0, $0x8  }
0xc1: {  	s23 =	sadd.s32 $0x8500, s19;
	s17 =	sand.u32 $0x1FFFFFF0, s17;
	s24 =	spop (v2sf)  }
0xc2: {  	s25 =	sadd.s32 $0x8680, s19;
	s17 =	sadd.s32 s3, s17;
	s26 =	spop (v2sf);
	(v2sf) =	vpush v0, $0x9  }
0xc3: {  	[tilespmem:s2], [sflag:$0x2] =	stream.linear.gather [hbm4b:s17+s1], $0x80, $0x38;
	[tilespmem:$0x10400] =	vst v63  }
0xc4: {  	s30 =	sand.u32 $0x1FFFFFF0, s24;
	s29 =	sand.u32 $0x1FFFFFF0, s26;
	s31 =	spop (v2sf);
	(v2sf) =	vpush v0, $0xA  }
0xc5: {  	s24 =	sadd.s32 $0x8580, s19;
	s2 =	sadd.s32 s3, s29;
	s28 =	spop (v2sf)  }
0xc6: {  	[tilespmem:s0], [sflag:$0x2] =	stream.linear.gather [hbm4b:s2+s1], $0x80, $0x38;
	(v2sf) =	vpush v0, $0xB;
	[tilespmem:$0x10400] =	vst v63  }
0xc7: {  	s26 =	sadd.s32 $0x8600, s19;
	s29 =	sadd.s32 s3, s30;
	s30 =	sand.u32 $0x1FFFFFF0, s31  }
0xc8: {  	(v2sf) =	vpush v0, $0xC;
	[tilespmem:s23], [sflag:$0x2] =	stream.linear.gather [hbm4b:s29+s1], $0x80, $0x38;
	[tilespmem:$0x10400] =	vst v63  }
0xc9: {  	s31 =	sand.u32 $0x1FFFFFF0, s28;
	s2 =	sadd.s32 s3, s30;
	s28 =	spop (v2sf)  }
0xca: {  	[tilespmem:s24], [sflag:$0x2] =	stream.linear.gather [hbm4b:s2+s1], $0x80, $0x38;
	(v2sf) =	vpush v0, $0xD;
	[tilespmem:$0x10400] =	vst v63  }
0xcb: {  	s29 =	sadd.s32 s3, s31;
	s30 =	sand.u32 $0x1FFFFFF0, s28;
	s31 =	spop (v2sf)  }
0xcc: {  	(v2sf) =	vpush v0, $0xE;
	[tilespmem:s26], [sflag:$0x2] =	stream.linear.gather [hbm4b:s29+s1], $0x80, $0x38;
	[tilespmem:$0x10400] =	vst v63  }
0xcd: {  	s2 =	sadd.s32 s3, s30;
	s23 =	sand.u32 $0x1FFFFFF0, s31;
	s24 =	spop (v2sf)  }
0xce: {  	(v2sf) =	vpush v0, $0xF;
	[tilespmem:s25], [sflag:$0x2] =	stream.linear.gather [hbm4b:s2+s1], $0x80, $0x38;
	[tilespmem:$0x10400] =	vst v63  }
0xcf: {  	s26 =	sand.u32 $0x1FFFFFF0, s24;
	s25 =	sadd.s32 s3, s23;
	s28 =	spop (v2sf)  }
0xd0: {  	[tilespmem:s13], [sflag:$0x2] =	stream.linear.gather [hbm4b:s25+s1], $0x80, $0x38;
	[tilespmem:$0x10400] =	vst v63  }
0xd1: {  	s29 =	sadd.s32 s3, s26;
	s30 =	sand.u32 $0x1FFFFFF0, s28;
	s31 =	spop (v2sf)  }
0xd2: {  	[tilespmem:s15], [sflag:$0x2] =	stream.linear.gather [hbm4b:s29+s1], $0x80, $0x38;
	[tilespmem:$0x10400] =	vst v63  }
0xd3: {  	s17 =	sadd.s32 s3, s30;
	s23 =	sand.u32 $0x1FFFFFF0, s31;
	s24 =	spop (v2sf)  }
0xd4: {  	[tilespmem:s5], [sflag:$0x2] =	stream.linear.gather [hbm4b:s17+s1], $0x80, $0x38;
	[tilespmem:$0x10400] =	vst v63  }
0xd5: {  	s25 =	sadd.s32 s3, s23;
	s26 =	sand.u32 $0x1FFFFFF0, s24;
	s28 =	spop (v2sf)  }
0xd6: {  	[tilespmem:s6], [sflag:$0x2] =	stream.linear.gather [hbm4b:s25+s1], $0x80, $0x38;
	[tilespmem:$0x10400] =	vst v63  }
0xd7: {  	s29 =	sadd.s32 s3, s26;
	s30 =	sand.u32 $0x1FFFFFF0, s28;
	s31 =	spop (v2sf)  }
0xd8: {  	[tilespmem:s7], [sflag:$0x2] =	stream.linear.gather [hbm4b:s29+s1], $0x80, $0x38;
	[tilespmem:$0x10400] =	vst v63  }
0xd9: {  	s6 =	sadd.s32 s3, s30;
	s7 =	sand.u32 $0x1FFFFFF0, s31;
	s13 =	spop (v2sf)  }
0xda: {  	[tilespmem:s22], [sflag:$0x2] =	stream.linear.gather [hbm4b:s6+s1], $0x80, $0x38;
	[tilespmem:$0x10400] =	vst v63  }
0xdb: {  	s15 =	sadd.s32 s3, s7;
	s17 =	sand.u32 $0x1FFFFFF0, s13;
	s22 =	spop (v2sf)  }
0xdc: {  	[tilespmem:s21], [sflag:$0x2] =	stream.linear.gather [hbm4b:s15+s1], $0x80, $0x38;
	[tilespmem:$0x10400] =	vst v63  }
0xdd: {  	s23 =	sadd.s32 s3, s17;
	s24 =	sand.u32 $0x1FFFFFF0, s22;
	s25 =	spop (v2sf)  }
0xde: {  	[tilespmem:s20], [sflag:$0x2] =	stream.linear.gather [hbm4b:s23+s1], $0x80, $0x38;
	[tilespmem:$0x10400] =	vst v63  }
0xdf: {  	s26 =	sadd.s32 $0x8B00, s19;
	s2 =	sadd.s32 s3, s24;
	s5 =	sand.u32 $0x1FFFFFF0, s25  }
0xe0: {  	[tilespmem:s26], [sflag:$0x2] =	stream.linear.gather [hbm4b:s2+s1], $0x80, $0x38;
	[tilespmem:$0x10400] =	vst v63  }
0xe1: {  	s28 =	sadd.s32 $0x8B80, s19;
	s29 =	sadd.s32 s3, s5  }
0xe2: {  	[tilespmem:s28], [sflag:$0x2] =	stream.linear.gather [hbm4b:s29+s1], $0x80, $0x38;
	[tilespmem:$0x10400] =	vst v63  }
0xe3: {  	_ =	swait.ge [sflag:s16], $0x8000  }
0xe4: {  	[sflag:s16] =	ssyncset.done $0x0  }
0xe5: {  	s30 =	simm.s32 $0x0;
	s31 =	simm.s32 $0x8400;
	[sflag:s16] =	ssyncadd.s32 $0xFFFF8000  }
0xe6: {  	[hbm4b:s8+s30] =	stream.linear.scatter [tilespmem:s31], [sflag:$0x3], $0x8000, $0x38;
	[tilespmem:$0x10400] =	vst v63  }
0xe7: {  	_ =	swait.ge [sflag:s12], $0x8000  }
0xe8: {  	[sflag:s12] =	ssyncset.done $0x0  }
0xe9: {  	s20 =	simm.s32 $0x200;
	[sflag:s12] =	ssyncadd.s32 $0xFFFF8000  }
0xea: {  	v0 =	vld [tilespmem:s20+$0x0];
	_ =	sdelay $0x4  }
0xeb: {  	v0 =	vshll.u32 v0, $0x4  }
0xec: {  	(v2sf) =	vpush v0, $0x0  }
0xed: {  	(v2sf) =	vpush v0, $0x1  }
0xee: {  	(v2sf) =	vpush v0, $0x2;
	_ =	sdelay $0x1  }
0xef: {  	(v2sf) =	vpush v0, $0x4;
	_ =	sdelay $0x1  }
0xf0: {  	(v2sf) =	vpush v0, $0x3  }
0xf1: {  	(v2sf) =	vpush v0, $0x5  }
0xf2: {  	s19 =	simm.s32 $0x0;
	s21 =	simm.s32 $0x2000;
	(v2sf) =	vpush v0, $0x6  }
.LBB2_6:
0xf3: {  	p0 =	sne.s32 s21, $0x1E000  }
0xf4: {  	s0 =	sadd.s32 $0x480, s19;
	s25 =	sadd.s32 $0x980, s19;
	s22 =	smov.u32 s21  }
0xf5: {  	s21 =	sadd.s32 $0x2000, s21;
	s29 =	sadd.s32 $0x780, s19;
	s23 =	sadd.s32 $0xA00, s19;
	(v2sf) =	vpush v0, $0x7  }
0xf6: {  	s31 =	sadd.s32 $0x680, s19;
	s28 =	sadd.s32 $0x800, s19;
	s24 =	sadd.s32 $0xA80, s19  }
0xf7: {  	s2 =	sadd.s32 $0x400, s19;
	s5 =	sadd.s32 $0x600, s19;
	(v2sf) =	vpush v0, $0x8  }
0xf8: {  	s6 =	sadd.s32 $0x700, s19;
	s20 =	sadd.s32 $0x10, s20  }
0xf9: {  	s7 =	sadd.s32 $0x500, s19;
	s26 =	sadd.s32 $0x900, s19;
	s13 =	spop (v2sf);
	(v2sf) =	vpush v0, $0x9  }
0xfa: {  	s30 =	sadd.s32 $0x880, s19;
	s13 =	sand.u32 $0x1FFFFFF0, s13;
	s15 =	spop (v2sf)  }
0xfb: {  	s13 =	sadd.s32 s4, s13;
	s15 =	sand.u32 $0x1FFFFFF0, s15;
	s17 =	spop (v2sf);
	(v2sf) =	vpush v0, $0xA  }
0xfc: {  	[tilespmem:s2], [sflag:$0x1] =	stream.linear.gather [hbm4b:s13+s1], $0x80, $0x38;
	[tilespmem:$0x10400] =	vst v63  }
0xfd: {  	s2 =	sadd.s32 s4, s15;
	s13 =	sadd.s32 $0x580, s19;
	s15 =	spop (v2sf);
	(v2sf) =	vpush v0, $0xB  }
0xfe: {  	[tilespmem:s0], [sflag:$0x1] =	stream.linear.gather [hbm4b:s2+s1], $0x80, $0x38;
	[tilespmem:$0x10400] =	vst v63  }
0xff: {  	s0 =	sand.u32 $0x1FFFFFF0, s17;
	s2 =	sand.u32 $0x1FFFFFF0, s15;
	s15 =	spop (v2sf);
	(v2sf) =	vpush v0, $0xC  }
0x100: {  	s0 =	sadd.s32 s4, s0;
	s15 =	sand.u32 $0x1FFFFFF0, s15;
	s17 =	spop (v2sf)  }
0x101: {  	[tilespmem:s7], [sflag:$0x1] =	stream.linear.gather [hbm4b:s0+s1], $0x80, $0x38;
	(v2sf) =	vpush v0, $0xD;
	[tilespmem:$0x10400] =	vst v63  }
0x102: {  	s0 =	sadd.s32 s4, s15;
	s7 =	sand.u32 $0x1FFFFFF0, s17;
	s15 =	spop (v2sf)  }
0x103: {  	[tilespmem:s13], [sflag:$0x1] =	stream.linear.gather [hbm4b:s0+s1], $0x80, $0x38;
	(v2sf) =	vpush v0, $0xE;
	[tilespmem:$0x10400] =	vst v63  }
0x104: {  	s0 =	sadd.s32 s4, s2;
	s2 =	sand.u32 $0x1FFFFFF0, s15;
	s13 =	spop (v2sf)  }
0x105: {  	[tilespmem:s5], [sflag:$0x1] =	stream.linear.gather [hbm4b:s0+s1], $0x80, $0x38;
	(v2sf) =	vpush v0, $0xF;
	[tilespmem:$0x10400] =	vst v63  }
0x106: {  	s0 =	sadd.s32 s4, s7;
	s5 =	sand.u32 $0x1FFFFFF0, s13;
	s7 =	spop (v2sf)  }
0x107: {  	[tilespmem:s31], [sflag:$0x1] =	stream.linear.gather [hbm4b:s0+s1], $0x80, $0x38;
	[tilespmem:$0x10400] =	vst v63  }
0x108: {  	s0 =	sadd.s32 s4, s2;
	s2 =	sand.u32 $0x1FFFFFF0, s7;
	s7 =	spop (v2sf)  }
0x109: {  	[tilespmem:s6], [sflag:$0x1] =	stream.linear.gather [hbm4b:s0+s1], $0x80, $0x38;
	[tilespmem:$0x10400] =	vst v63  }
0x10a: {  	s0 =	sadd.s32 s4, s5;
	s5 =	sand.u32 $0x1FFFFFF0, s7;
	s6 =	spop (v2sf)  }
0x10b: {  	[tilespmem:s29], [sflag:$0x1] =	stream.linear.gather [hbm4b:s0+s1], $0x80, $0x38;
	[tilespmem:$0x10400] =	vst v63  }
0x10c: {  	s0 =	sadd.s32 s4, s2;
	s2 =	sand.u32 $0x1FFFFFF0, s6;
	s6 =	spop (v2sf)  }
0x10d: {  	[tilespmem:s28], [sflag:$0x1] =	stream.linear.gather [hbm4b:s0+s1], $0x80, $0x38;
	[tilespmem:$0x10400] =	vst v63  }
0x10e: {  	s0 =	sadd.s32 s4, s5;
	s5 =	sand.u32 $0x1FFFFFF0, s6;
	s6 =	spop (v2sf)  }
0x10f: {  	[tilespmem:s30], [sflag:$0x1] =	stream.linear.gather [hbm4b:s0+s1], $0x80, $0x38;
	[tilespmem:$0x10400] =	vst v63  }
0x110: {  	s0 =	sadd.s32 s4, s2;
	s2 =	sand.u32 $0x1FFFFFF0, s6;
	s6 =	spop (v2sf)  }
0x111: {  	[tilespmem:s26], [sflag:$0x1] =	stream.linear.gather [hbm4b:s0+s1], $0x80, $0x38;
	[tilespmem:$0x10400] =	vst v63  }
0x112: {  	s0 =	sadd.s32 s4, s5;
	s5 =	sand.u32 $0x1FFFFFF0, s6;
	s6 =	spop (v2sf)  }
0x113: {  	[tilespmem:s25], [sflag:$0x1] =	stream.linear.gather [hbm4b:s0+s1], $0x80, $0x38;
	[tilespmem:$0x10400] =	vst v63  }
0x114: {  	s0 =	sadd.s32 s4, s2;
	s2 =	sand.u32 $0x1FFFFFF0, s6;
	s6 =	spop (v2sf)  }
0x115: {  	[tilespmem:s23], [sflag:$0x1] =	stream.linear.gather [hbm4b:s0+s1], $0x80, $0x38;
	[tilespmem:$0x10400] =	vst v63  }
0x116: {  	s0 =	sadd.s32 s4, s5;
	s5 =	sand.u32 $0x1FFFFFF0, s6  }
0x117: {  	[tilespmem:s24], [sflag:$0x1] =	stream.linear.gather [hbm4b:s0+s1], $0x80, $0x38;
	[tilespmem:$0x10400] =	vst v63  }
0x118: {  	s2 =	sadd.s32 s4, s2;
	s0 =	sadd.s32 $0xB00, s19  }
0x119: {  	[tilespmem:s0], [sflag:$0x1] =	stream.linear.gather [hbm4b:s2+s1], $0x80, $0x38;
	[tilespmem:$0x10400] =	vst v63  }
0x11a: {  	s0 =	sadd.s32 $0xB80, s19;
	s2 =	sadd.s32 s4, s5  }
0x11b: {  	[tilespmem:s0], [sflag:$0x1] =	stream.linear.gather [hbm4b:s2+s1], $0x80, $0x38;
	[tilespmem:$0x10400] =	vst v63  }
0x11c: {  	v0 =	vld [tilespmem:s20+$0x0];
	_ =	sdelay $0x4  }
0x11d: {  	v0 =	vshll.u32 v0, $0x4  }
0x11e: {  	(v2sf) =	vpush v0, $0x0  }
0x11f: {  	(v2sf) =	vpush v0, $0x1  }
0x120: {  	(v2sf) =	vpush v0, $0x2;
	_ =	sdelay $0x1  }
0x121: {  	(v2sf) =	vpush v0, $0x4  }
.Ltmp2:
0x122: {  	(pc) =	sbr.rel @p0 .LBB2_6-.Ltmp2, $3  }
0x123: {  	(v2sf) =	vpush v0, $0x3  }
0x124: {  	(v2sf) =	vpush v0, $0x5;
	_ =	sdelay $0x1  }
0x125: {  	s19 =	sshra.s32 s22, $0x2;
	(v2sf) =	vpush v0, $0x6  }
0x126: {  	_ =	sdelay $0x1  }
0x127: {  	s0 =	sadd.s32 $0x480, s19;
	s22 =	sadd.s32 $0x980, s19  }
0x128: {  	s2 =	sadd.s32 $0x780, s19;
	s20 =	sadd.s32 $0xA00, s19;
	(v2sf) =	vpush v0, $0x7;
	s5 =	sadd.s32 $0x680, s19  }
0x129: {  	s6 =	sadd.s32 $0x800, s19;
	s21 =	sadd.s32 $0xA80, s19;
	s7 =	sadd.s32 $0x400, s19  }
0x12a: {  	s13 =	sadd.s32 $0x600, s19;
	s15 =	sadd.s32 $0x700, s19;
	(v2sf) =	vpush v0, $0x8;
	s17 =	spop (v2sf)  }
0x12b: {  	s23 =	sadd.s32 $0x500, s19;
	s17 =	sand.u32 $0x1FFFFFF0, s17;
	s24 =	spop (v2sf)  }
0x12c: {  	(v2sf) =	vpush v0, $0x9;
	s17 =	sadd.s32 s4, s17;
	s24 =	sand.u32 $0x1FFFFFF0, s24;
	s25 =	spop (v2sf)  }
0x12d: {  	[tilespmem:s7], [sflag:$0x1] =	stream.linear.gather [hbm4b:s17+s1], $0x80, $0x38;
	[tilespmem:$0x10400] =	vst v63  }
0x12e: {  	s26 =	sadd.s32 $0x580, s19;
	(v2sf) =	vpush v0, $0xA;
	s30 =	sadd.s32 s4, s24;
	s31 =	spop (v2sf)  }
0x12f: {  	[tilespmem:s0], [sflag:$0x1] =	stream.linear.gather [hbm4b:s30+s1], $0x80, $0x38;
	[tilespmem:$0x10400] =	vst v63  }
0x130: {  	s7 =	sadd.s32 $0x900, s19;
	s28 =	sand.u32 $0x1FFFFFF0, s25;
	(v2sf) =	vpush v0, $0xB;
	s29 =	spop (v2sf)  }
0x131: {  	s17 =	sadd.s32 s4, s28;
	s0 =	sadd.s32 $0x880, s19;
	s25 =	sand.u32 $0x1FFFFFF0, s29  }
0x132: {  	(v2sf) =	vpush v0, $0xC;
	[tilespmem:s23], [sflag:$0x1] =	stream.linear.gather [hbm4b:s17+s1], $0x80, $0x38;
	[tilespmem:$0x10400] =	vst v63  }
0x133: {  	s30 =	sand.u32 $0x1FFFFFF0, s31;
	s31 =	spop (v2sf);
	s28 =	sadd.s32 s4, s25  }
0x134: {  	(v2sf) =	vpush v0, $0xD;
	[tilespmem:s26], [sflag:$0x1] =	stream.linear.gather [hbm4b:s28+s1], $0x80, $0x38;
	[tilespmem:$0x10400] =	vst v63  }
0x135: {  	s17 =	sadd.s32 s4, s30;
	s23 =	sand.u32 $0x1FFFFFF0, s31;
	s29 =	spop (v2sf)  }
0x136: {  	(v2sf) =	vpush v0, $0xE;
	[tilespmem:s13], [sflag:$0x1] =	stream.linear.gather [hbm4b:s17+s1], $0x80, $0x38;
	[tilespmem:$0x10400] =	vst v63  }
0x137: {  	s23 =	sadd.s32 s4, s23;
	s30 =	sand.u32 $0x1FFFFFF0, s29;
	s31 =	spop (v2sf)  }
0x138: {  	(v2sf) =	vpush v0, $0xF;
	[tilespmem:s5], [sflag:$0x1] =	stream.linear.gather [hbm4b:s23+s1], $0x80, $0x38;
	[tilespmem:$0x10400] =	vst v63  }
0x139: {  	s24 =	sand.u32 $0x1FFFFFF0, s31;
	s25 =	spop (v2sf);
	s13 =	sadd.s32 s4, s30  }
0x13a: {  	[tilespmem:s15], [sflag:$0x1] =	stream.linear.gather [hbm4b:s13+s1], $0x80, $0x38;
	[tilespmem:$0x10400] =	vst v63  }
0x13b: {  	s26 =	sand.u32 $0x1FFFFFF0, s25;
	s5 =	sadd.s32 s4, s24;
	s28 =	spop (v2sf)  }
0x13c: {  	[tilespmem:s2], [sflag:$0x1] =	stream.linear.gather [hbm4b:s5+s1], $0x80, $0x38;
	[tilespmem:$0x10400] =	vst v63  }
0x13d: {  	s13 =	sadd.s32 s4, s26;
	s29 =	sand.u32 $0x1FFFFFF0, s28;
	s30 =	spop (v2sf)  }
0x13e: {  	[tilespmem:s6], [sflag:$0x1] =	stream.linear.gather [hbm4b:s13+s1], $0x80, $0x38;
	[tilespmem:$0x10400] =	vst v63  }
0x13f: {  	s5 =	sand.u32 $0x1FFFFFF0, s30;
	s2 =	sadd.s32 s4, s29;
	s31 =	spop (v2sf)  }
0x140: {  	[tilespmem:s0], [sflag:$0x1] =	stream.linear.gather [hbm4b:s2+s1], $0x80, $0x38;
	[tilespmem:$0x10400] =	vst v63  }
0x141: {  	s5 =	sadd.s32 s4, s5;
	s13 =	sand.u32 $0x1FFFFFF0, s31;
	s15 =	spop (v2sf)  }
0x142: {  	[tilespmem:s7], [sflag:$0x1] =	stream.linear.gather [hbm4b:s5+s1], $0x80, $0x38;
	[tilespmem:$0x10400] =	vst v63  }
0x143: {  	s0 =	sadd.s32 s4, s13;
	s2 =	sand.u32 $0x1FFFFFF0, s15;
	s17 =	spop (v2sf)  }
0x144: {  	[tilespmem:s22], [sflag:$0x1] =	stream.linear.gather [hbm4b:s0+s1], $0x80, $0x38;
	[tilespmem:$0x10400] =	vst v63  }
0x145: {  	s2 =	sadd.s32 s4, s2;
	s23 =	spop (v2sf);
	s22 =	sand.u32 $0x1FFFFFF0, s17  }
0x146: {  	[tilespmem:s20], [sflag:$0x1] =	stream.linear.gather [hbm4b:s2+s1], $0x80, $0x38;
	[tilespmem:$0x10400] =	vst v63  }
0x147: {  	s24 =	sand.u32 $0x1FFFFFF0, s23;
	s25 =	spop (v2sf);
	s0 =	sadd.s32 s4, s22  }
0x148: {  	[tilespmem:s21], [sflag:$0x1] =	stream.linear.gather [hbm4b:s0+s1], $0x80, $0x38;
	[tilespmem:$0x10400] =	vst v63  }
0x149: {  	s28 =	sadd.s32 $0xB00, s19;
	s26 =	sand.u32 $0x1FFFFFF0, s25;
	s2 =	sadd.s32 s4, s24  }
0x14a: {  	[tilespmem:s28], [sflag:$0x1] =	stream.linear.gather [hbm4b:s2+s1], $0x80, $0x38;
	[tilespmem:$0x10400] =	vst v63  }
0x14b: {  	s29 =	sadd.s32 $0xB80, s19;
	s0 =	sadd.s32 s4, s26  }
0x14c: {  	[tilespmem:s29], [sflag:$0x1] =	stream.linear.gather [hbm4b:s0+s1], $0x80, $0x38;
	[tilespmem:$0x10400] =	vst v63  }
0x14d: {  	_ =	swait.ge [sflag:s14], $0x8000  }
0x14e: {  	[sflag:s14] =	ssyncset.done $0x0  }
0x14f: {  	s19 =	simm.s32 $0x0;
	s30 =	simm.s32 $0x400;
	[sflag:s14] =	ssyncadd.s32 $0xFFFF8000  }
0x150: {  	[hbm4b:s9+s19] =	stream.linear.scatter [tilespmem:s30], [sflag:$0x3], $0x8000, $0x38;
	[tilespmem:$0x10400] =	vst v63  }
0x151: {  	_ =	swait.ge [sflag:s12], $0x8000  }
0x152: {  	[sflag:s12] =	ssyncset.done $0x0  }
0x153: {  	s31 =	sand.u32 $0xF0, s19;
	[sflag:s12] =	ssyncadd.s32 $0xFFFF8000  }
0x154: {  	v0 =	vld [tilespmem:s31+$0x300];
	_ =	sdelay $0x4  }
0x155: {  	v0 =	vshll.u32 v0, $0x4  }
0x156: {  	(v2sf) =	vpush v0, $0x0  }
0x157: {  	(v2sf) =	vpush v0, $0x2  }
0x158: {  	(v2sf) =	vpush v0, $0x1;
	_ =	sdelay $0x1  }
0x159: {  	(v2sf) =	vpush v0, $0x3  }
0x15a: {  	(v2sf) =	vpush v0, $0x4;
	_ =	sdelay $0x2  }
0x15b: {  	s20 =	simm.s32 $0x2000;
	s21 =	simm.s32 $0x10  }
.LBB2_8:
0x15c: {  	p0 =	sne.s32 s20, $0x1E000;
	(v2sf) =	vpush v0, $0x5;
	s0 =	smov.u32 s20;
	s20 =	sadd.s32 $0x2000, s20  }
0x15d: {  	s22 =	sshra.s32 s19, $0x2;
	s19 =	smov.u32 s0  }
0x15e: {  	s0 =	sadd.s32 $0x8480, s22;
	(v2sf) =	vpush v0, $0x6  }
0x15f: {  	s2 =	sadd.s32 $0x8400, s22  }
0x160: {  	s25 =	sadd.s32 $0x8980, s22;
	s24 =	sadd.s32 $0x8A00, s22;
	s23 =	sadd.s32 $0x8A80, s22;
	(v2sf) =	vpush v0, $0x7  }
0x161: {  	s29 =	sadd.s32 $0x8800, s22;
	s28 =	sadd.s32 $0x8880, s22;
	s26 =	sadd.s32 $0x8900, s22  }
0x162: {  	s5 =	sadd.s32 $0x8700, s22;
	s30 =	sadd.s32 $0x8780, s22;
	s6 =	spop (v2sf);
	(v2sf) =	vpush v0, $0x8  }
0x163: {  	s7 =	sadd.s32 $0x8500, s22;
	s6 =	sand.u32 $0x1FFFFFF0, s6;
	s13 =	spop (v2sf)  }
0x164: {  	s15 =	sadd.s32 $0x8680, s22;
	s6 =	sadd.s32 s4, s6;
	s17 =	spop (v2sf);
	(v2sf) =	vpush v0, $0x9  }
0x165: {  	[tilespmem:s2], [sflag:$0x2] =	stream.linear.gather [hbm4b:s6+s1], $0x80, $0x38;
	[tilespmem:$0x10400] =	vst v63  }
0x166: {  	s2 =	sand.u32 $0x1FFFFFF0, s17;
	s6 =	sand.u32 $0x1FFFFFF0, s13;
	s13 =	spop (v2sf);
	(v2sf) =	vpush v0, $0xA  }
0x167: {  	s17 =	sadd.s32 $0x8600, s22;
	s2 =	sadd.s32 s4, s2;
	s31 =	spop (v2sf)  }
0x168: {  	[tilespmem:s0], [sflag:$0x2] =	stream.linear.gather [hbm4b:s2+s1], $0x80, $0x38;
	(v2sf) =	vpush v0, $0xB;
	[tilespmem:$0x10400] =	vst v63  }
0x169: {  	s0 =	sadd.s32 s4, s6;
	s2 =	sand.u32 $0x1FFFFFF0, s13;
	s6 =	sand.u32 $0x1FFFFFF0, s31  }
0x16a: {  	[tilespmem:s7], [sflag:$0x2] =	stream.linear.gather [hbm4b:s0+s1], $0x80, $0x38;
	(v2sf) =	vpush v0, $0xC;
	[tilespmem:$0x10400] =	vst v63  }
0x16b: {  	s2 =	sadd.s32 s4, s2;
	s0 =	sadd.s32 $0x8580, s22;
	s7 =	spop (v2sf)  }
0x16c: {  	[tilespmem:s0], [sflag:$0x2] =	stream.linear.gather [hbm4b:s2+s1], $0x80, $0x38;
	(v2sf) =	vpush v0, $0xD;
	[tilespmem:$0x10400] =	vst v63  }
0x16d: {  	s0 =	sadd.s32 s4, s6;
	s2 =	sand.u32 $0x1FFFFFF0, s7;
	s6 =	spop (v2sf)  }
0x16e: {  	[tilespmem:s17], [sflag:$0x2] =	stream.linear.gather [hbm4b:s0+s1], $0x80, $0x38;
	(v2sf) =	vpush v0, $0xE;
	[tilespmem:$0x10400] =	vst v63  }
0x16f: {  	s0 =	sadd.s32 s4, s2;
	s2 =	sand.u32 $0x1FFFFFF0, s6;
	s6 =	spop (v2sf)  }
0x170: {  	[tilespmem:s15], [sflag:$0x2] =	stream.linear.gather [hbm4b:s0+s1], $0x80, $0x38;
	(v2sf) =	vpush v0, $0xF;
	[tilespmem:$0x10400] =	vst v63  }
0x171: {  	s0 =	sadd.s32 s4, s2;
	s2 =	sand.u32 $0x1FFFFFF0, s6;
	s6 =	spop (v2sf)  }
0x172: {  	[tilespmem:s5], [sflag:$0x2] =	stream.linear.gather [hbm4b:s0+s1], $0x80, $0x38;
	[tilespmem:$0x10400] =	vst v63  }
0x173: {  	s0 =	sadd.s32 s4, s2;
	s2 =	sand.u32 $0x1FFFFFF0, s6;
	s5 =	spop (v2sf)  }
0x174: {  	[tilespmem:s30], [sflag:$0x2] =	stream.linear.gather [hbm4b:s0+s1], $0x80, $0x38;
	[tilespmem:$0x10400] =	vst v63  }
0x175: {  	s0 =	sadd.s32 s4, s2;
	s2 =	sand.u32 $0x1FFFFFF0, s5;
	s5 =	spop (v2sf)  }
0x176: {  	[tilespmem:s29], [sflag:$0x2] =	stream.linear.gather [hbm4b:s0+s1], $0x80, $0x38;
	[tilespmem:$0x10400] =	vst v63  }
0x177: {  	s0 =	sadd.s32 s4, s2;
	s2 =	sand.u32 $0x1FFFFFF0, s5;
	s5 =	spop (v2sf)  }
0x178: {  	[tilespmem:s28], [sflag:$0x2] =	stream.linear.gather [hbm4b:s0+s1], $0x80, $0x38;
	[tilespmem:$0x10400] =	vst v63  }
0x179: {  	s0 =	sadd.s32 s4, s2;
	s2 =	sand.u32 $0x1FFFFFF0, s5;
	s5 =	spop (v2sf)  }
0x17a: {  	[tilespmem:s26], [sflag:$0x2] =	stream.linear.gather [hbm4b:s0+s1], $0x80, $0x38;
	[tilespmem:$0x10400] =	vst v63  }
0x17b: {  	s0 =	sadd.s32 s4, s2;
	s2 =	sand.u32 $0x1FFFFFF0, s5;
	s5 =	spop (v2sf)  }
0x17c: {  	[tilespmem:s25], [sflag:$0x2] =	stream.linear.gather [hbm4b:s0+s1], $0x80, $0x38;
	[tilespmem:$0x10400] =	vst v63  }
0x17d: {  	s0 =	sadd.s32 s4, s2;
	s2 =	sand.u32 $0x1FFFFFF0, s5;
	s5 =	spop (v2sf)  }
0x17e: {  	[tilespmem:s24], [sflag:$0x2] =	stream.linear.gather [hbm4b:s0+s1], $0x80, $0x38;
	[tilespmem:$0x10400] =	vst v63  }
0x17f: {  	s0 =	sadd.s32 s4, s2;
	s2 =	sand.u32 $0x1FFFFFF0, s5;
	s5 =	spop (v2sf)  }
0x180: {  	[tilespmem:s23], [sflag:$0x2] =	stream.linear.gather [hbm4b:s0+s1], $0x80, $0x38;
	[tilespmem:$0x10400] =	vst v63  }
0x181: {  	s2 =	sadd.s32 s4, s2;
	s0 =	sadd.s32 $0x8B00, s22;
	s5 =	sand.u32 $0x1FFFFFF0, s5  }
0x182: {  	[tilespmem:s0], [sflag:$0x2] =	stream.linear.gather [hbm4b:s2+s1], $0x80, $0x38;
	[tilespmem:$0x10400] =	vst v63  }
0x183: {  	s5 =	sadd.s32 s4, s5;
	s0 =	sand.u32 $0xF0, s21;
	s2 =	sadd.s32 $0x8B80, s22  }
0x184: {  	[tilespmem:s2], [sflag:$0x2] =	stream.linear.gather [hbm4b:s5+s1], $0x80, $0x38;
	[tilespmem:$0x10400] =	vst v63  }
0x185: {  	v0 =	vld [tilespmem:s0+$0x300];
	_ =	sdelay $0x4  }
0x186: {  	v0 =	vshll.u32 v0, $0x4  }
0x187: {  	(v2sf) =	vpush v0, $0x0  }
0x188: {  	(v2sf) =	vpush v0, $0x2  }
0x189: {  	(v2sf) =	vpush v0, $0x1;
	_ =	sdelay $0x1  }
.Ltmp3:
0x18a: {  	(v2sf) =	vpush v0, $0x3;
	(pc) =	sbr.rel @p0 .LBB2_8-.Ltmp3, $2  }
0x18b: {  	(v2sf) =	vpush v0, $0x4;
	_ =	sdelay $0x2  }
0x18c: {  	s21 =	sadd.s32 $0x10, s21  }
0x18d: {  	(v2sf) =	vpush v0, $0x5;
	_ =	sdelay $0x1  }
0x18e: {  	s19 =	sshra.s32 s19, $0x2;
	(v2sf) =	vpush v0, $0x6  }
0x18f: {  	s0 =	sadd.s32 $0x8480, s19;
	s2 =	sadd.s32 $0x8400, s19  }
0x190: {  	s22 =	sadd.s32 $0x8980, s19;
	s21 =	sadd.s32 $0x8A00, s19;
	s20 =	sadd.s32 $0x8A80, s19;
	(v2sf) =	vpush v0, $0x7  }
0x191: {  	s5 =	sadd.s32 $0x8800, s19;
	s6 =	sadd.s32 $0x8880, s19;
	s7 =	sadd.s32 $0x8900, s19  }
0x192: {  	s13 =	sadd.s32 $0x8700, s19;
	s15 =	sadd.s32 $0x8780, s19;
	s17 =	spop (v2sf);
	(v2sf) =	vpush v0, $0x8  }
0x193: {  	s23 =	sadd.s32 $0x8500, s19;
	s17 =	sand.u32 $0x1FFFFFF0, s17;
	s24 =	spop (v2sf)  }
0x194: {  	s25 =	sadd.s32 $0x8680, s19;
	s17 =	sadd.s32 s4, s17;
	s26 =	spop (v2sf);
	(v2sf) =	vpush v0, $0x9  }
0x195: {  	[tilespmem:s2], [sflag:$0x2] =	stream.linear.gather [hbm4b:s17+s1], $0x80, $0x38;
	[tilespmem:$0x10400] =	vst v63  }
0x196: {  	s30 =	sand.u32 $0x1FFFFFF0, s24;
	s29 =	sand.u32 $0x1FFFFFF0, s26;
	s31 =	spop (v2sf);
	(v2sf) =	vpush v0, $0xA  }
0x197: {  	s26 =	sadd.s32 $0x8600, s19;
	s2 =	sadd.s32 s4, s29;
	s28 =	spop (v2sf)  }
0x198: {  	[tilespmem:s0], [sflag:$0x2] =	stream.linear.gather [hbm4b:s2+s1], $0x80, $0x38;
	(v2sf) =	vpush v0, $0xB;
	[tilespmem:$0x10400] =	vst v63  }
0x199: {  	s17 =	sadd.s32 s4, s30;
	s30 =	sadd.s32 $0x8580, s19;
	s24 =	sand.u32 $0x1FFFFFF0, s31  }
0x19a: {  	(v2sf) =	vpush v0, $0xC;
	[tilespmem:s23], [sflag:$0x2] =	stream.linear.gather [hbm4b:s17+s1], $0x80, $0x38;
	[tilespmem:$0x10400] =	vst v63  }
0x19b: {  	s29 =	sand.u32 $0x1FFFFFF0, s28;
	s2 =	sadd.s32 s4, s24;
	s31 =	spop (v2sf)  }
0x19c: {  	[tilespmem:s30], [sflag:$0x2] =	stream.linear.gather [hbm4b:s2+s1], $0x80, $0x38;
	(v2sf) =	vpush v0, $0xD;
	[tilespmem:$0x10400] =	vst v63  }
0x19d: {  	s2 =	sadd.s32 s4, s29;
	s17 =	sand.u32 $0x1FFFFFF0, s31;
	s23 =	spop (v2sf)  }
0x19e: {  	(v2sf) =	vpush v0, $0xE;
	[tilespmem:s26], [sflag:$0x2] =	stream.linear.gather [hbm4b:s2+s1], $0x80, $0x38;
	[tilespmem:$0x10400] =	vst v63  }
0x19f: {  	s24 =	sadd.s32 s4, s17;
	s26 =	sand.u32 $0x1FFFFFF0, s23;
	s28 =	spop (v2sf)  }
0x1a0: {  	(v2sf) =	vpush v0, $0xF;
	[tilespmem:s25], [sflag:$0x2] =	stream.linear.gather [hbm4b:s24+s1], $0x80, $0x38;
	[tilespmem:$0x10400] =	vst v63  }
0x1a1: {  	s29 =	sadd.s32 s4, s26;
	s30 =	sand.u32 $0x1FFFFFF0, s28;
	s31 =	spop (v2sf)  }
0x1a2: {  	[tilespmem:s13], [sflag:$0x2] =	stream.linear.gather [hbm4b:s29+s1], $0x80, $0x38;
	[tilespmem:$0x10400] =	vst v63  }
0x1a3: {  	s13 =	sadd.s32 s4, s30;
	s23 =	sand.u32 $0x1FFFFFF0, s31;
	s24 =	spop (v2sf)  }
0x1a4: {  	[tilespmem:s15], [sflag:$0x2] =	stream.linear.gather [hbm4b:s13+s1], $0x80, $0x38;
	[tilespmem:$0x10400] =	vst v63  }
0x1a5: {  	s25 =	sadd.s32 s4, s23;
	s26 =	sand.u32 $0x1FFFFFF0, s24;
	s28 =	spop (v2sf)  }
0x1a6: {  	[tilespmem:s5], [sflag:$0x2] =	stream.linear.gather [hbm4b:s25+s1], $0x80, $0x38;
	[tilespmem:$0x10400] =	vst v63  }
0x1a7: {  	s29 =	sadd.s32 s4, s26;
	s30 =	sand.u32 $0x1FFFFFF0, s28;
	s31 =	spop (v2sf)  }
0x1a8: {  	[tilespmem:s6], [sflag:$0x2] =	stream.linear.gather [hbm4b:s29+s1], $0x80, $0x38;
	[tilespmem:$0x10400] =	vst v63  }
0x1a9: {  	s2 =	sadd.s32 s4, s30;
	s5 =	sand.u32 $0x1FFFFFF0, s31;
	s6 =	spop (v2sf)  }
0x1aa: {  	[tilespmem:s7], [sflag:$0x2] =	stream.linear.gather [hbm4b:s2+s1], $0x80, $0x38;
	[tilespmem:$0x10400] =	vst v63  }
0x1ab: {  	s13 =	sand.u32 $0x1FFFFFF0, s6;
	s7 =	sadd.s32 s4, s5;
	s15 =	spop (v2sf)  }
0x1ac: {  	[tilespmem:s22], [sflag:$0x2] =	stream.linear.gather [hbm4b:s7+s1], $0x80, $0x38;
	[tilespmem:$0x10400] =	vst v63  }
0x1ad: {  	s17 =	sadd.s32 s4, s13;
	s22 =	sand.u32 $0x1FFFFFF0, s15;
	s23 =	spop (v2sf)  }
0x1ae: {  	[tilespmem:s21], [sflag:$0x2] =	stream.linear.gather [hbm4b:s17+s1], $0x80, $0x38;
	[tilespmem:$0x10400] =	vst v63  }
0x1af: {  	s24 =	sadd.s32 s4, s22;
	s25 =	sand.u32 $0x1FFFFFF0, s23;
	s26 =	spop (v2sf)  }
0x1b0: {  	[tilespmem:s20], [sflag:$0x2] =	stream.linear.gather [hbm4b:s24+s1], $0x80, $0x38;
	[tilespmem:$0x10400] =	vst v63  }
0x1b1: {  	s28 =	sadd.s32 $0x8B00, s19;
	s2 =	sadd.s32 s4, s25;
	s5 =	sand.u32 $0x1FFFFFF0, s26  }
0x1b2: {  	[tilespmem:s28], [sflag:$0x2] =	stream.linear.gather [hbm4b:s2+s1], $0x80, $0x38;
	[tilespmem:$0x10400] =	vst v63  }
0x1b3: {  	s29 =	sadd.s32 $0x8B80, s19;
	s30 =	sadd.s32 s4, s5  }
0x1b4: {  	[tilespmem:s29], [sflag:$0x2] =	stream.linear.gather [hbm4b:s30+s1], $0x80, $0x38;
	[tilespmem:$0x10400] =	vst v63  }
0x1b5: {  	s18 =	sadd.s32 $0x1, s18;
	_ =	swait.ge [sflag:s16], $0x8000  }
0x1b6: {  	p0 =	sne.s32 s18, s11;
	[sflag:s16] =	ssyncset.done $0x0  }
.Ltmp4:
0x1b7: {  	s31 =	simm.s32 $0x8400;
	[sflag:s16] =	ssyncadd.s32 $0xFFFF8000;
	(pc) =	sbr.rel @p0 .LBB2_1-.Ltmp4, $4  }
0x1b8: {  	[hbm4b:s10+s1] =	stream.linear.scatter [tilespmem:s31], [sflag:$0x3], $0x8000, $0x38;
	[tilespmem:$0x10400] =	vst v63  }
0x1b9: {  	_ =	swait.ge [sflag:s12], $0x8000  }
0x1ba: {  	[sflag:s12] =	ssyncset.done $0x0  }
0x1bb: {  	[sflag:s12] =	ssyncadd.s32 $0xFFFF8000  }
0x1bc: {  	_ =	sfence.sel $0x180000  }
0x1bd: {  	[bflag:$0x0] =	sbarrier.arrive $0xFFFF  }
0x1be: {  	_ =	strace $0x90000047  }
0x1bf: {  	s0 =	stileid.u32;
	[bflag:$0x2] =	sbarrier.arrive $0xFFFF  }
0x1c0: {  	p0 =	sne.s32 s0, $0x0;
	s0 =	rddreg [dreg:$0x3]  }
0x1c1: {  	s0 =	sadd.s32 @!p0 $0x100000, s0  }
0x1c2: {  	[sflag:s0] =	ssyncadd.tile.s32 @!p0 $0x1;
	_ =	shalt  }
.Lfunc_end2:
_tile_overlayer_lowered:
.L_overlay_start_2:
0x1c3: {  	(tag) =	ssettag $0x2  }
0x1c4: {  	s0 =	rddreg [dreg:$0x0];
	s2 =	stileid.u32  }
0x1c5: {  	s1 =	rddreg [dreg:$0x1];
	p0 =	sne.s32 s2, $0x0  }
0x1c6: {  	s3 =	rddreg [dreg:$0x2];
	[bflag:$0x3] =	sbarrier.arrive $0xFFFF;
	s2 =	simm.s32 @!p0 $0x1C03  }
0x1c7: {  	[timem:s3], [sflag:s2] =	dma.local @!p0 [hbm:s0], s1  }
0x1c8: {  	s0 =	simm.s32 @!p0 $0x3  }
0x1c9: {  	_ =	swait.ge @!p0 [sflag:s0], s1  }
0x1ca: {  	s1 =	ssub.s32 @!p0 $0x0, s1;
	[sflag:s0] =	ssyncset.done @!p0 $0x0  }
0x1cb: {  	[sflag:s0] =	ssyncadd.s32 @!p0 s1  }
0x1cc: {  	[bflag:$0x3] =	sbarrier.arrive $0xFFFF  }
0x1cd: {  	_ =	shalt  }

</sc_bundles>
